<compile_context>
chip_gen: v7x
topology: tpu7x:2x2x1
jax: 0.10.2.dev20260603
libtpu: 0.0.44.dev20260713+nightly
codegen_flags: <defaults>
</compile_context>

<pallas_src>
import functools

import jax
import jax.numpy as jnp
from jax import lax
from jax.experimental import pallas as pl
from jax.experimental.pallas import tpu as pltpu
from jax.experimental.pallas import tpu_sc as plsc

F32 = jnp.float32
NC, NS = 2, 16
NW = NC * NS
CH = 144
CNTW = 16


def _make_sc_agg(n_rows: int, d: int, nchunk: int, with_count: bool):
    assert nchunk % 2 == 0
    rpt = ((n_rows + NS * 8 - 1) // (NS * 8)) * 8
    np_rows = rpt * NS

    mesh = plsc.VectorSubcoreMesh(core_axis_name="c", subcore_axis_name="s",
                                  num_cores=NC, num_subcores=NS)

    out_type = [jax.ShapeDtypeStruct((np_rows, d), F32),
                jax.ShapeDtypeStruct((np_rows, d), F32)]
    scratch = [
        pltpu.VMEM((2, 2, CH), jnp.int32),
        pltpu.VMEM((CH, d), F32),
        pltpu.VMEM((CH, d), F32),
        pltpu.VMEM_SHARED((np_rows, d), F32),
        pltpu.SemaphoreType.DMA,
        pltpu.SemaphoreType.DMA,
        pltpu.SemaphoreType.DMA,
        pltpu.SemaphoreType.DMA,
    ]
    if with_count:
        out_type += [jax.ShapeDtypeStruct((NW, np_rows), F32)]
        scratch += [pltpu.VMEM((np_rows,), F32)]

    def body(*refs):
        if with_count:
            (table, edges, zrow,
             acc0_o, acc1_o, cnt_o,
             idx, rows0, rows1, acc_sh, gsem0, gsem1, ssem0, ssem1,
             cnt_l) = refs
        else:
            (table, edges, zrow,
             acc0_o, acc1_o,
             idx, rows0, rows1, acc_sh, gsem0, gsem1, ssem0, ssem1) = refs
        rows = (rows0, rows1)
        gsem = (gsem0, gsem1)
        ssem = (ssem0, ssem1)
        cid = lax.axis_index("c")
        sid = lax.axis_index("s")
        wid = cid * NS + sid

        pltpu.sync_copy(zrow, acc_sh.at[pl.ds(sid * rpt, rpt)])
        if with_count:
            zv = jnp.zeros((16,), F32)

            def zstep(i, carry):
                cnt_l[pl.ds(i * 16, 16)] = zv
                return carry

            lax.fori_loop(0, np_rows // 16, zstep, 0)
        plsc.subcore_barrier()

        ones16 = jnp.ones((16,), F32)

        def stage(j, b):
            pltpu.sync_copy(edges.at[wid, j], idx.at[b])
            pltpu.async_copy(table.at[idx.at[b, 0]], rows[b], gsem[b])

        def gwait(b):
            pltpu.make_async_copy(table.at[idx.at[b, 0]], rows[b],
                                  gsem[b]).wait()

        def sstart(b):
            pltpu.async_copy(rows[b], acc_sh.at[idx.at[b, 1]], ssem[b],
                             add=True)

        def swait(b):
            pltpu.make_async_copy(rows[b], acc_sh.at[idx.at[b, 1]],
                                  ssem[b]).wait()

        def counts(b):
            if with_count:
                for k in range(CH // 16):
                    dv = idx[b, 1, pl.ds(k * 16, 16)]
                    plsc.addupdate_scatter(cnt_l, [dv], ones16)

        stage(0, 0)
        gwait(0)
        counts(0)
        sstart(0)
        stage(1, 1)

        def pair(g, carry):
            for b in (1, 0):
                j = 2 * g + 2 - b
                nb = 1 - b
                gwait(b)
                counts(b)
                sstart(b)
                swait(nb)
                stage(j + 1, nb)
            return carry

        lax.fori_loop(0, (nchunk - 2) // 2, pair, 0)
        gwait(1)
        counts(1)
        sstart(1)
        swait(0)
        swait(1)
        plsc.subcore_barrier()

        sl = pl.ds(sid * rpt, rpt)
        if with_count:
            pltpu.sync_copy(cnt_l, cnt_o.at[wid])

        @pl.when(cid == 0)
        def _():
            pltpu.sync_copy(acc_sh.at[sl], acc0_o.at[sl])

        @pl.when(cid == 1)
        def _():
            pltpu.sync_copy(acc_sh.at[sl], acc1_o.at[sl])

    return pl.kernel(body, out_type=out_type, mesh=mesh, scratch_types=scratch,
                     compiler_params=pltpu.CompilerParams(
                         use_tc_tiling_on_sc=False, needs_layout_passes=False))


def _tc_mid(x, acc0, acc1, cntT, w1l, b1, w1r, w2l, *, bn):
    n, f = x.shape
    h_dim = w1l.shape[1]
    p_dim = w2l.shape[1]
    grid = (n // bn,)

    def body(x_r, a0_r, a1_r, c_r, w1l_r, b1_r, w1r_r, w2l_r, h_r, p_r):
        cnt = jnp.sum(c_r[...], axis=1, keepdims=True)
        recip = 1.0 / jnp.maximum(cnt, 1.0)
        mean = (a0_r[...] + a1_r[...]) * recip
        h = jnp.dot(mean, w1l_r[...], preferred_element_type=F32) + b1_r[...]
        h = h + jnp.dot(x_r[...], w1r_r[...], preferred_element_type=F32)
        h = jnp.maximum(h, 0.0)
        h_r[...] = h
        p_r[...] = jnp.dot(h, w2l_r[...], preferred_element_type=F32)

    return pl.pallas_call(
        body,
        grid=grid,
        in_specs=[
            pl.BlockSpec((bn, f), lambda i: (i, 0)),
            pl.BlockSpec((bn, f), lambda i: (i, 0)),
            pl.BlockSpec((bn, f), lambda i: (i, 0)),
            pl.BlockSpec((bn, NW), lambda i: (i, 0)),
            pl.BlockSpec((f, h_dim), lambda i: (0, 0)),
            pl.BlockSpec((1, h_dim), lambda i: (0, 0)),
            pl.BlockSpec((f, h_dim), lambda i: (0, 0)),
            pl.BlockSpec((h_dim, p_dim), lambda i: (0, 0)),
        ],
        out_specs=[
            pl.BlockSpec((bn, h_dim), lambda i: (i, 0)),
            pl.BlockSpec((bn, p_dim), lambda i: (i, 0)),
        ],
        out_shape=[jax.ShapeDtypeStruct((n, h_dim), F32),
                   jax.ShapeDtypeStruct((n, p_dim), F32)],
    )(x, acc0, acc1, cntT, w1l, b1, w1r, w2l)


def _tc_out(h, p0, p1, cntT, w2r, b2, *, bn):
    n, h_dim = h.shape
    p_dim = w2r.shape[1]
    grid = (n // bn,)

    def body(h_r, p0_r, p1_r, c_r, w2r_r, b2_r, o_r):
        cnt = jnp.sum(c_r[...], axis=1, keepdims=True)
        recip = 1.0 / jnp.maximum(cnt, 1.0)
        meanp = (p0_r[...] + p1_r[...]) * recip
        o_r[...] = meanp + b2_r[...] + jnp.dot(
            h_r[...], w2r_r[...], preferred_element_type=F32)

    return pl.pallas_call(
        body,
        grid=grid,
        in_specs=[
            pl.BlockSpec((bn, h_dim), lambda i: (i, 0)),
            pl.BlockSpec((bn, p_dim), lambda i: (i, 0)),
            pl.BlockSpec((bn, p_dim), lambda i: (i, 0)),
            pl.BlockSpec((bn, NW), lambda i: (i, 0)),
            pl.BlockSpec((h_dim, p_dim), lambda i: (0, 0)),
            pl.BlockSpec((1, p_dim), lambda i: (0, 0)),
        ],
        out_specs=pl.BlockSpec((bn, p_dim), lambda i: (i, 0)),
        out_shape=jax.ShapeDtypeStruct((n, p_dim), F32),
    )(h, p0, p1, cntT, w2r, b2)


def kernel(x, edge_index, W1l, b1, W1r, W2l, b2, W2r):
    n, f = x.shape
    e = edge_index.shape[1]
    o = W2l.shape[1]
    p_dim = 128
    bn = 2000

    nchunk = -(-e // (NW * CH))
    nchunk += nchunk % 2
    e_pad = nchunk * CH * NW
    src = jnp.concatenate(
        [edge_index[0], jnp.zeros((e_pad - e,), jnp.int32)]).reshape(
            NW, nchunk, 1, CH)
    dst = jnp.concatenate(
        [edge_index[1], jnp.full((e_pad - e,), n, jnp.int32)]).reshape(
            NW, nchunk, 1, CH)
    pad_chunk = jnp.concatenate(
        [jnp.zeros((NW, 1, 1, CH), jnp.int32),
         jnp.full((NW, 1, 1, CH), n, jnp.int32)], axis=2)
    edges = jnp.concatenate(
        [jnp.concatenate([src, dst], axis=2), pad_chunk], axis=1)

    rpt = ((n + NS * 8 - 1) // (NS * 8)) * 8
    zrow = jnp.zeros((rpt, f), F32)

    agg1 = _make_sc_agg(n, f, nchunk, with_count=True)
    acc0, acc1, cnt_part = agg1(x, edges, zrow)
    cntT = cnt_part.T

    w2l_p = jnp.pad(W2l, ((0, 0), (0, p_dim - o)))
    h, p = _tc_mid(x, acc0, acc1, cntT,
                   W1l, b1.reshape(1, -1), W1r, w2l_p, bn=bn)

    agg2 = _make_sc_agg(n, p_dim, nchunk, with_count=False)
    pacc0, pacc1 = agg2(p, edges, zrow)

    w2r_p = jnp.pad(W2r, ((0, 0), (0, p_dim - o)))
    b2_p = jnp.pad(b2, (0, p_dim - o)).reshape(1, -1)
    out = _tc_out(h, pacc0, pacc1, cntT, w2r_p, b2_p, bn=bn)
    return out[:, :o]

# --- scband reference (transcript-rebuilt; emitter-appended) ---
"""Pipeline reference for scband-graph-sage-70497593197182 (READ-ONLY COPY).

The authoritative reference and input builder live on the scoring server;
editing this copy changes nothing except your own understanding.
"""

import jax, jax.numpy as jnp
import numpy as np

N, E, F, H, O = 10000, 320000, 128, 512, 121

def setup_inputs(seed: int = 0) -> dict:
    key = jax.random.key(seed)
    ks = jax.random.split(key, 10)
    x = jax.random.normal(ks[0], (N, F), dtype=jnp.float32)
    edge_index = jax.random.randint(ks[1], (2, E), 0, N, dtype=jnp.int32)
    # SAGEConv params: lin_l (applied to aggregated neighbors, has bias), lin_r (applied to root, no bias)
    W1l = jax.random.normal(ks[2], (F, H), dtype=jnp.float32) * (1.0 / np.sqrt(F))
    b1 = jnp.zeros((H,), dtype=jnp.float32)
    W1r = jax.random.normal(ks[3], (F, H), dtype=jnp.float32) * (1.0 / np.sqrt(F))
    W2l = jax.random.normal(ks[4], (H, O), dtype=jnp.float32) * (1.0 / np.sqrt(H))
    b2 = jnp.zeros((O,), dtype=jnp.float32)
    W2r = jax.random.normal(ks[5], (H, O), dtype=jnp.float32) * (1.0 / np.sqrt(H))
    return {"x": x, "edge_index": edge_index, "W1l": W1l, "b1": b1, "W1r": W1r, "W2l": W2l, "b2": b2, "W2r": W2r}

def _sage_conv(x, src, dst, Wl, b, Wr):
    # mean aggregation of source features at destination nodes
    msgs = x[src]                                             # gather [E, d]
    agg = jax.ops.segment_sum(msgs, dst, num_segments=x.shape[0])   # scatter-add
    cnt = jax.ops.segment_sum(jnp.ones((src.shape[0],), x.dtype), dst, num_segments=x.shape[0])
    mean = agg / jnp.clip(cnt, 1.0, None)[:, None]
    return mean @ Wl + b + x @ Wr

def reference(x, edge_index, W1l, b1, W1r, W2l, b2, W2r):
    src = edge_index[0]
    dst = edge_index[1]
    h = _sage_conv(x, src, dst, W1l, b1, W1r)
    h = jax.nn.relu(h)
    # dropout(p=0.2) is identity in eval mode
    out = _sage_conv(h, src, dst, W2l, b2, W2r)
    return out

if __name__ == "__main__":
    import jax
    _d = setup_inputs()
    print(jax.jit(kernel)(*tuple(_d.values())))

</pallas_src>

<mosaic_0001>
#map = affine_map<(d0, d1) -> (0, 0)>
#map1 = affine_map<(d0, d1) -> (0, 0, 0, 0)>
module attributes {stable_mosaic.version = 14 : i64} {
  func.func @body(%arg0: i32, %arg1: i32, %arg2: memref<10000x128xf32, #tpu.memory_space<hbm>>, %arg3: memref<32x71x2x144xi32, #tpu.memory_space<hbm>>, %arg4: memref<632x128xf32, #tpu.memory_space<hbm>>, %arg5: memref<10112x128xf32, #tpu.memory_space<hbm>>, %arg6: memref<10112x128xf32, #tpu.memory_space<hbm>>, %arg7: memref<2x2x144xi32, #tpu.memory_space<vmem>>, %arg8: memref<144x128xf32, #tpu.memory_space<vmem>>, %arg9: memref<144x128xf32, #tpu.memory_space<vmem>>, %arg10: memref<10112x128xf32, #tpu.memory_space<vmem_shared>>, %arg11: memref<!tpu.dma_semaphore, #tpu.memory_space<semaphore_mem>>, %arg12: memref<!tpu.dma_semaphore, #tpu.memory_space<semaphore_mem>>, %arg13: memref<!tpu.dma_semaphore, #tpu.memory_space<semaphore_mem>>, %arg14: memref<!tpu.dma_semaphore, #tpu.memory_space<semaphore_mem>>) attributes {dimension_semantics = [#tpu.dimension_semantics<core_parallel>, #tpu.dimension_semantics<subcore_parallel>], iteration_bounds = array<i64: 2, 16>, scalar_prefetch = 0 : i64, scratch_operands = 8 : i64, tpu.core_type = #tpu.core_type<sc_vector_subcore>, window_params = [{transform_indices = #map}, {transform_indices = #map1}, {transform_indices = #map}, {transform_indices = #map}, {transform_indices = #map}]} {
    %mul3A = arith.constant 16 : i32
    %mul3A_0 = arith.muli %arg0, %mul3A : i32
    %add3A = arith.addi %mul3A_0, %arg1 : i32
    %mul3A_1 = arith.constant 632 : i32
    %mul3A_2 = arith.muli %arg1, %mul3A_1 : i32
    "tpu.region"() ({
      %run_scoped3A_84 = tpu.sem_alloc : memref<!tpu.dma_semaphore, #tpu.memory_space<semaphore_mem>>
      %dma_start3A_85 = arith.constant 0 : i32
      %dma_start3A_86 = tpu.memref_slice %arg10[%mul3A_2, %dma_start3A_85] : memref<10112x128xf32, #tpu.memory_space<vmem_shared>> -> memref<632x128xf32, #tpu.memory_space<vmem_shared>>
      tpu.enqueue_dma source(%arg4 : memref<632x128xf32, #tpu.memory_space<hbm>>) target(%dma_start3A_86 : memref<632x128xf32, #tpu.memory_space<vmem_shared>>) target_semaphore(%run_scoped3A_84 : memref<!tpu.dma_semaphore, #tpu.memory_space<semaphore_mem>>)
      %dma_wait3A_87 = arith.constant 0 : i32
      %dma_wait3A_88 = tpu.memref_slice %arg10[%mul3A_2, %dma_wait3A_87] : memref<10112x128xf32, #tpu.memory_space<vmem_shared>> -> memref<632x128xf32, #tpu.memory_space<vmem_shared>>
      tpu.wait_dma2 semaphore(%run_scoped3A_84 : memref<!tpu.dma_semaphore, #tpu.memory_space<semaphore_mem>>) src(%arg4 : memref<632x128xf32, #tpu.memory_space<hbm>>) dst(%dma_wait3A_88 : memref<632x128xf32, #tpu.memory_space<vmem_shared>>)
      tpu.yield
    }) : () -> ()
    %barrier3A = arith.constant 0 : index
    tpu.barrier barrier_id(%barrier3A)
    %broadcast_in_dim3A = arith.constant 1.000000e+00 : f32
    %broadcast_in_dim3A_3 = vector.broadcast %broadcast_in_dim3A : f32 to vector<16xf32>
    %run_scoped3A = arith.constant 0 : i32
    %run_scoped3A_4 = arith.constant 0 : i32
    "tpu.region"() ({
      %run_scoped3A_84 = tpu.sem_alloc : memref<!tpu.dma_semaphore, #tpu.memory_space<semaphore_mem>>
      %dma_start3A_85 = arith.constant 0 : i32
      %dma_start3A_86 = arith.constant 0 : i32
      %dma_start3A_87 = tpu.memref_slice %arg7[%run_scoped3A_4, %dma_start3A_85, %dma_start3A_86] : memref<2x2x144xi32, #tpu.memory_space<vmem>> -> memref<1x2x144xi32, #tpu.memory_space<vmem>>
      %dma_start3A_88 = tpu.memref_squeeze %dma_start3A_87 : memref<1x2x144xi32, #tpu.memory_space<vmem>> -> memref<2x144xi32, #tpu.memory_space<vmem>>
      %dma_start3A_89 = arith.constant 0 : i32
      %dma_start3A_90 = arith.constant 0 : i32
      %dma_start3A_91 = tpu.memref_slice %arg3[%add3A, %run_scoped3A, %dma_start3A_89, %dma_start3A_90] : memref<32x71x2x144xi32, #tpu.memory_space<hbm>> -> memref<1x1x2x144xi32, #tpu.memory_space<hbm>>
      %dma_start3A_92 = tpu.memref_squeeze %dma_start3A_91 : memref<1x1x2x144xi32, #tpu.memory_space<hbm>> -> memref<2x144xi32, #tpu.memory_space<hbm>>
      %dma_start3A_93 = arith.constant 0 : i32
      %dma_start3A_94 = arith.constant 0 : i32
      %dma_start3A_95 = tpu.memref_slice %arg7[%run_scoped3A_4, %dma_start3A_93, %dma_start3A_94] : memref<2x2x144xi32, #tpu.memory_space<vmem>> -> memref<1x2x144xi32, #tpu.memory_space<vmem>>
      %dma_start3A_96 = tpu.memref_squeeze %dma_start3A_95 : memref<1x2x144xi32, #tpu.memory_space<vmem>> -> memref<2x144xi32, #tpu.memory_space<vmem>>
      %dma_start3A_97 = arith.constant 0 : i32
      %dma_start3A_98 = arith.constant 0 : i32
      %dma_start3A_99 = tpu.memref_slice %arg3[%add3A, %run_scoped3A, %dma_start3A_97, %dma_start3A_98] : memref<32x71x2x144xi32, #tpu.memory_space<hbm>> -> memref<1x1x2x144xi32, #tpu.memory_space<hbm>>
      %dma_start3A_100 = tpu.memref_squeeze %dma_start3A_99 : memref<1x1x2x144xi32, #tpu.memory_space<hbm>> -> memref<2x144xi32, #tpu.memory_space<hbm>>
      tpu.enqueue_dma source(%dma_start3A_100 : memref<2x144xi32, #tpu.memory_space<hbm>>) target(%dma_start3A_96 : memref<2x144xi32, #tpu.memory_space<vmem>>) target_semaphore(%run_scoped3A_84 : memref<!tpu.dma_semaphore, #tpu.memory_space<semaphore_mem>>)
      %dma_wait3A_101 = arith.constant 0 : i32
      %dma_wait3A_102 = arith.constant 0 : i32
      %dma_wait3A_103 = tpu.memref_slice %arg7[%run_scoped3A_4, %dma_wait3A_101, %dma_wait3A_102] : memref<2x2x144xi32, #tpu.memory_space<vmem>> -> memref<1x2x144xi32, #tpu.memory_space<vmem>>
      %dma_wait3A_104 = tpu.memref_squeeze %dma_wait3A_103 : memref<1x2x144xi32, #tpu.memory_space<vmem>> -> memref<2x144xi32, #tpu.memory_space<vmem>>
      %dma_wait3A_105 = arith.constant 0 : i32
      %dma_wait3A_106 = arith.constant 0 : i32
      %dma_wait3A_107 = tpu.memref_slice %arg3[%add3A, %run_scoped3A, %dma_wait3A_105, %dma_wait3A_106] : memref<32x71x2x144xi32, #tpu.memory_space<hbm>> -> memref<1x1x2x144xi32, #tpu.memory_space<hbm>>
      %dma_wait3A_108 = tpu.memref_squeeze %dma_wait3A_107 : memref<1x1x2x144xi32, #tpu.memory_space<hbm>> -> memref<2x144xi32, #tpu.memory_space<hbm>>
      %dma_wait3A_109 = arith.constant 0 : i32
      %dma_wait3A_110 = arith.constant 0 : i32
      %dma_wait3A_111 = tpu.memref_slice %arg7[%run_scoped3A_4, %dma_wait3A_109, %dma_wait3A_110] : memref<2x2x144xi32, #tpu.memory_space<vmem>> -> memref<1x2x144xi32, #tpu.memory_space<vmem>>
      %dma_wait3A_112 = tpu.memref_squeeze %dma_wait3A_111 : memref<1x2x144xi32, #tpu.memory_space<vmem>> -> memref<2x144xi32, #tpu.memory_space<vmem>>
      %dma_wait3A_113 = arith.constant 0 : i32
      %dma_wait3A_114 = arith.constant 0 : i32
      %dma_wait3A_115 = tpu.memref_slice %arg3[%add3A, %run_scoped3A, %dma_wait3A_113, %dma_wait3A_114] : memref<32x71x2x144xi32, #tpu.memory_space<hbm>> -> memref<1x1x2x144xi32, #tpu.memory_space<hbm>>
      %dma_wait3A_116 = tpu.memref_squeeze %dma_wait3A_115 : memref<1x1x2x144xi32, #tpu.memory_space<hbm>> -> memref<2x144xi32, #tpu.memory_space<hbm>>
      tpu.wait_dma2 semaphore(%run_scoped3A_84 : memref<!tpu.dma_semaphore, #tpu.memory_space<semaphore_mem>>) src(%dma_wait3A_116 : memref<2x144xi32, #tpu.memory_space<hbm>>) dst(%dma_wait3A_112 : memref<2x144xi32, #tpu.memory_space<vmem>>)
      tpu.yield
    }) : () -> ()
    %dma_start3A = arith.constant 0 : i32
    %dma_start3A_5 = arith.constant 0 : i32
    %dma_start3A_6 = arith.constant 0 : i32
    %dma_start3A_7 = tpu.memref_slice %arg7[%dma_start3A, %dma_start3A_5, %dma_start3A_6] : memref<2x2x144xi32, #tpu.memory_space<vmem>> -> memref<1x1x144xi32, #tpu.memory_space<vmem>>
    %dma_start3A_8 = tpu.memref_squeeze %dma_start3A_7 : memref<1x1x144xi32, #tpu.memory_space<vmem>> -> memref<144xi32, #tpu.memory_space<vmem>>
    %dma_start3A_9 = arith.constant 0 : i32
    %dma_start3A_10 = arith.constant 0 : i32
    %dma_start3A_11 = tpu.memref_slice %arg2[%dma_start3A_9, %dma_start3A_10] : memref<10000x128xf32, #tpu.memory_space<hbm>> -> memref<10000x128xf32, #tpu.memory_space<hbm>>
    tpu.enqueue_indirect_dma source(%dma_start3A_11 : memref<10000x128xf32, #tpu.memory_space<hbm>>) target(%arg8 : memref<144x128xf32, #tpu.memory_space<vmem>>) offsets(%dma_start3A_8 : memref<144xi32, #tpu.memory_space<vmem>>) semaphore(%arg11 : memref<!tpu.dma_semaphore, #tpu.memory_space<semaphore_mem>>)
    %dma_wait3A = arith.constant 0 : i32
    %dma_wait3A_12 = arith.constant 0 : i32
    %dma_wait3A_13 = arith.constant 0 : i32
    %dma_wait3A_14 = tpu.memref_slice %arg7[%dma_wait3A, %dma_wait3A_12, %dma_wait3A_13] : memref<2x2x144xi32, #tpu.memory_space<vmem>> -> memref<1x1x144xi32, #tpu.memory_space<vmem>>
    %dma_wait3A_15 = tpu.memref_squeeze %dma_wait3A_14 : memref<1x1x144xi32, #tpu.memory_space<vmem>> -> memref<144xi32, #tpu.memory_space<vmem>>
    %dma_wait3A_16 = arith.constant 0 : i32
    %dma_wait3A_17 = arith.constant 0 : i32
    %dma_wait3A_18 = tpu.memref_slice %arg2[%dma_wait3A_16, %dma_wait3A_17] : memref<10000x128xf32, #tpu.memory_space<hbm>> -> memref<10000x128xf32, #tpu.memory_space<hbm>>
    tpu.wait_indirect_dma semaphore(%arg11 : memref<!tpu.dma_semaphore, #tpu.memory_space<semaphore_mem>>) src(%dma_wait3A_18 : memref<10000x128xf32, #tpu.memory_space<hbm>>) dst(%arg8 : memref<144x128xf32, #tpu.memory_space<vmem>>)
    %dma_start3A_19 = arith.constant 0 : i32
    %dma_start3A_20 = arith.constant 1 : i32
    %dma_start3A_21 = arith.constant 0 : i32
    %dma_start3A_22 = tpu.memref_slice %arg7[%dma_start3A_19, %dma_start3A_20, %dma_start3A_21] : memref<2x2x144xi32, #tpu.memory_space<vmem>> -> memref<1x1x144xi32, #tpu.memory_space<vmem>>
    %dma_start3A_23 = tpu.memref_squeeze %dma_start3A_22 : memref<1x1x144xi32, #tpu.memory_space<vmem>> -> memref<144xi32, #tpu.memory_space<vmem>>
    %dma_start3A_24 = arith.constant 0 : i32
    %dma_start3A_25 = arith.constant 0 : i32
    %dma_start3A_26 = tpu.memref_slice %arg10[%dma_start3A_24, %dma_start3A_25] : memref<10112x128xf32, #tpu.memory_space<vmem_shared>> -> memref<10112x128xf32, #tpu.memory_space<vmem_shared>>
    tpu.enqueue_indirect_dma source(%arg8 : memref<144x128xf32, #tpu.memory_space<vmem>>) target(%dma_start3A_26 : memref<10112x128xf32, #tpu.memory_space<vmem_shared>>) offsets(%dma_start3A_23 : memref<144xi32, #tpu.memory_space<vmem>>) semaphore(%arg13 : memref<!tpu.dma_semaphore, #tpu.memory_space<semaphore_mem>>) {add = true}
    %run_scoped3A_27 = arith.constant 1 : i32
    %run_scoped3A_28 = arith.constant 1 : i32
    "tpu.region"() ({
      %run_scoped3A_84 = tpu.sem_alloc : memref<!tpu.dma_semaphore, #tpu.memory_space<semaphore_mem>>
      %dma_start3A_85 = arith.constant 0 : i32
      %dma_start3A_86 = arith.constant 0 : i32
      %dma_start3A_87 = tpu.memref_slice %arg7[%run_scoped3A_28, %dma_start3A_85, %dma_start3A_86] : memref<2x2x144xi32, #tpu.memory_space<vmem>> -> memref<1x2x144xi32, #tpu.memory_space<vmem>>
      %dma_start3A_88 = tpu.memref_squeeze %dma_start3A_87 : memref<1x2x144xi32, #tpu.memory_space<vmem>> -> memref<2x144xi32, #tpu.memory_space<vmem>>
      %dma_start3A_89 = arith.constant 0 : i32
      %dma_start3A_90 = arith.constant 0 : i32
      %dma_start3A_91 = tpu.memref_slice %arg3[%add3A, %run_scoped3A_27, %dma_start3A_89, %dma_start3A_90] : memref<32x71x2x144xi32, #tpu.memory_space<hbm>> -> memref<1x1x2x144xi32, #tpu.memory_space<hbm>>
      %dma_start3A_92 = tpu.memref_squeeze %dma_start3A_91 : memref<1x1x2x144xi32, #tpu.memory_space<hbm>> -> memref<2x144xi32, #tpu.memory_space<hbm>>
      %dma_start3A_93 = arith.constant 0 : i32
      %dma_start3A_94 = arith.constant 0 : i32
      %dma_start3A_95 = tpu.memref_slice %arg7[%run_scoped3A_28, %dma_start3A_93, %dma_start3A_94] : memref<2x2x144xi32, #tpu.memory_space<vmem>> -> memref<1x2x144xi32, #tpu.memory_space<vmem>>
      %dma_start3A_96 = tpu.memref_squeeze %dma_start3A_95 : memref<1x2x144xi32, #tpu.memory_space<vmem>> -> memref<2x144xi32, #tpu.memory_space<vmem>>
      %dma_start3A_97 = arith.constant 0 : i32
      %dma_start3A_98 = arith.constant 0 : i32
      %dma_start3A_99 = tpu.memref_slice %arg3[%add3A, %run_scoped3A_27, %dma_start3A_97, %dma_start3A_98] : memref<32x71x2x144xi32, #tpu.memory_space<hbm>> -> memref<1x1x2x144xi32, #tpu.memory_space<hbm>>
      %dma_start3A_100 = tpu.memref_squeeze %dma_start3A_99 : memref<1x1x2x144xi32, #tpu.memory_space<hbm>> -> memref<2x144xi32, #tpu.memory_space<hbm>>
      tpu.enqueue_dma source(%dma_start3A_100 : memref<2x144xi32, #tpu.memory_space<hbm>>) target(%dma_start3A_96 : memref<2x144xi32, #tpu.memory_space<vmem>>) target_semaphore(%run_scoped3A_84 : memref<!tpu.dma_semaphore, #tpu.memory_space<semaphore_mem>>)
      %dma_wait3A_101 = arith.constant 0 : i32
      %dma_wait3A_102 = arith.constant 0 : i32
      %dma_wait3A_103 = tpu.memref_slice %arg7[%run_scoped3A_28, %dma_wait3A_101, %dma_wait3A_102] : memref<2x2x144xi32, #tpu.memory_space<vmem>> -> memref<1x2x144xi32, #tpu.memory_space<vmem>>
      %dma_wait3A_104 = tpu.memref_squeeze %dma_wait3A_103 : memref<1x2x144xi32, #tpu.memory_space<vmem>> -> memref<2x144xi32, #tpu.memory_space<vmem>>
      %dma_wait3A_105 = arith.constant 0 : i32
      %dma_wait3A_106 = arith.constant 0 : i32
      %dma_wait3A_107 = tpu.memref_slice %arg3[%add3A, %run_scoped3A_27, %dma_wait3A_105, %dma_wait3A_106] : memref<32x71x2x144xi32, #tpu.memory_space<hbm>> -> memref<1x1x2x144xi32, #tpu.memory_space<hbm>>
      %dma_wait3A_108 = tpu.memref_squeeze %dma_wait3A_107 : memref<1x1x2x144xi32, #tpu.memory_space<hbm>> -> memref<2x144xi32, #tpu.memory_space<hbm>>
      %dma_wait3A_109 = arith.constant 0 : i32
      %dma_wait3A_110 = arith.constant 0 : i32
      %dma_wait3A_111 = tpu.memref_slice %arg7[%run_scoped3A_28, %dma_wait3A_109, %dma_wait3A_110] : memref<2x2x144xi32, #tpu.memory_space<vmem>> -> memref<1x2x144xi32, #tpu.memory_space<vmem>>
      %dma_wait3A_112 = tpu.memref_squeeze %dma_wait3A_111 : memref<1x2x144xi32, #tpu.memory_space<vmem>> -> memref<2x144xi32, #tpu.memory_space<vmem>>
      %dma_wait3A_113 = arith.constant 0 : i32
      %dma_wait3A_114 = arith.constant 0 : i32
      %dma_wait3A_115 = tpu.memref_slice %arg3[%add3A, %run_scoped3A_27, %dma_wait3A_113, %dma_wait3A_114] : memref<32x71x2x144xi32, #tpu.memory_space<hbm>> -> memref<1x1x2x144xi32, #tpu.memory_space<hbm>>
      %dma_wait3A_116 = tpu.memref_squeeze %dma_wait3A_115 : memref<1x1x2x144xi32, #tpu.memory_space<hbm>> -> memref<2x144xi32, #tpu.memory_space<hbm>>
      tpu.wait_dma2 semaphore(%run_scoped3A_84 : memref<!tpu.dma_semaphore, #tpu.memory_space<semaphore_mem>>) src(%dma_wait3A_116 : memref<2x144xi32, #tpu.memory_space<hbm>>) dst(%dma_wait3A_112 : memref<2x144xi32, #tpu.memory_space<vmem>>)
      tpu.yield
    }) : () -> ()
    %dma_start3A_29 = arith.constant 1 : i32
    %dma_start3A_30 = arith.constant 0 : i32
    %dma_start3A_31 = arith.constant 0 : i32
    %dma_start3A_32 = tpu.memref_slice %arg7[%dma_start3A_29, %dma_start3A_30, %dma_start3A_31] : memref<2x2x144xi32, #tpu.memory_space<vmem>> -> memref<1x1x144xi32, #tpu.memory_space<vmem>>
    %dma_start3A_33 = tpu.memref_squeeze %dma_start3A_32 : memref<1x1x144xi32, #tpu.memory_space<vmem>> -> memref<144xi32, #tpu.memory_space<vmem>>
    %dma_start3A_34 = arith.constant 0 : i32
    %dma_start3A_35 = arith.constant 0 : i32
    %dma_start3A_36 = tpu.memref_slice %arg2[%dma_start3A_34, %dma_start3A_35] : memref<10000x128xf32, #tpu.memory_space<hbm>> -> memref<10000x128xf32, #tpu.memory_space<hbm>>
    tpu.enqueue_indirect_dma source(%dma_start3A_36 : memref<10000x128xf32, #tpu.memory_space<hbm>>) target(%arg9 : memref<144x128xf32, #tpu.memory_space<vmem>>) offsets(%dma_start3A_33 : memref<144xi32, #tpu.memory_space<vmem>>) semaphore(%arg12 : memref<!tpu.dma_semaphore, #tpu.memory_space<semaphore_mem>>)
    %scan3A = arith.constant 0 : i32
    %scan3A_37 = arith.constant 0 : i32
    %scan3A_38 = arith.constant 34 : i32
    %scan3A_39 = arith.addi %scan3A_37, %scan3A_38 : i32
    %scan3A_40 = arith.constant 1 : i32
    scf.for %scan3A_84 = %scan3A_37 to %scan3A_39 step %scan3A_40  : i32 {
      %mul3A_85 = arith.constant 2 : i32
      %mul3A_86 = arith.muli %mul3A_85, %scan3A_84 : i32
      %add3A_87 = arith.constant 2 : i32
      %add3A_88 = arith.addi %mul3A_86, %add3A_87 : i32
      %sub3A = arith.constant 1 : i32
      %sub3A_89 = arith.subi %add3A_88, %sub3A : i32
      %dma_wait3A_90 = arith.constant 1 : i32
      %dma_wait3A_91 = arith.constant 0 : i32
      %dma_wait3A_92 = arith.constant 0 : i32
      %dma_wait3A_93 = tpu.memref_slice %arg7[%dma_wait3A_90, %dma_wait3A_91, %dma_wait3A_92] : memref<2x2x144xi32, #tpu.memory_space<vmem>> -> memref<1x1x144xi32, #tpu.memory_space<vmem>>
      %dma_wait3A_94 = tpu.memref_squeeze %dma_wait3A_93 : memref<1x1x144xi32, #tpu.memory_space<vmem>> -> memref<144xi32, #tpu.memory_space<vmem>>
      %dma_wait3A_95 = arith.constant 0 : i32
      %dma_wait3A_96 = arith.constant 0 : i32
      %dma_wait3A_97 = tpu.memref_slice %arg2[%dma_wait3A_95, %dma_wait3A_96] : memref<10000x128xf32, #tpu.memory_space<hbm>> -> memref<10000x128xf32, #tpu.memory_space<hbm>>
      tpu.wait_indirect_dma semaphore(%arg12 : memref<!tpu.dma_semaphore, #tpu.memory_space<semaphore_mem>>) src(%dma_wait3A_97 : memref<10000x128xf32, #tpu.memory_space<hbm>>) dst(%arg9 : memref<144x128xf32, #tpu.memory_space<vmem>>)
      %dma_start3A_98 = arith.constant 1 : i32
      %dma_start3A_99 = arith.constant 1 : i32
      %dma_start3A_100 = arith.constant 0 : i32
      %dma_start3A_101 = tpu.memref_slice %arg7[%dma_start3A_98, %dma_start3A_99, %dma_start3A_100] : memref<2x2x144xi32, #tpu.memory_space<vmem>> -> memref<1x1x144xi32, #tpu.memory_space<vmem>>
      %dma_start3A_102 = tpu.memref_squeeze %dma_start3A_101 : memref<1x1x144xi32, #tpu.memory_space<vmem>> -> memref<144xi32, #tpu.memory_space<vmem>>
      %dma_start3A_103 = arith.constant 0 : i32
      %dma_start3A_104 = arith.constant 0 : i32
      %dma_start3A_105 = tpu.memref_slice %arg10[%dma_start3A_103, %dma_start3A_104] : memref<10112x128xf32, #tpu.memory_space<vmem_shared>> -> memref<10112x128xf32, #tpu.memory_space<vmem_shared>>
      tpu.enqueue_indirect_dma source(%arg9 : memref<144x128xf32, #tpu.memory_space<vmem>>) target(%dma_start3A_105 : memref<10112x128xf32, #tpu.memory_space<vmem_shared>>) offsets(%dma_start3A_102 : memref<144xi32, #tpu.memory_space<vmem>>) semaphore(%arg14 : memref<!tpu.dma_semaphore, #tpu.memory_space<semaphore_mem>>) {add = true}
      %dma_wait3A_106 = arith.constant 0 : i32
      %dma_wait3A_107 = arith.constant 1 : i32
      %dma_wait3A_108 = arith.constant 0 : i32
      %dma_wait3A_109 = tpu.memref_slice %arg7[%dma_wait3A_106, %dma_wait3A_107, %dma_wait3A_108] : memref<2x2x144xi32, #tpu.memory_space<vmem>> -> memref<1x1x144xi32, #tpu.memory_space<vmem>>
      %dma_wait3A_110 = tpu.memref_squeeze %dma_wait3A_109 : memref<1x1x144xi32, #tpu.memory_space<vmem>> -> memref<144xi32, #tpu.memory_space<vmem>>
      %dma_wait3A_111 = arith.constant 0 : i32
      %dma_wait3A_112 = arith.constant 0 : i32
      %dma_wait3A_113 = tpu.memref_slice %arg10[%dma_wait3A_111, %dma_wait3A_112] : memref<10112x128xf32, #tpu.memory_space<vmem_shared>> -> memref<10112x128xf32, #tpu.memory_space<vmem_shared>>
      tpu.wait_indirect_dma semaphore(%arg13 : memref<!tpu.dma_semaphore, #tpu.memory_space<semaphore_mem>>) src(%arg8 : memref<144x128xf32, #tpu.memory_space<vmem>>) dst(%dma_wait3A_113 : memref<10112x128xf32, #tpu.memory_space<vmem_shared>>)
      %add3A_114 = arith.constant 1 : i32
      %add3A_115 = arith.addi %sub3A_89, %add3A_114 : i32
      %run_scoped3A_116 = arith.constant 0 : i32
      "tpu.region"() ({
        %run_scoped3A_166 = tpu.sem_alloc : memref<!tpu.dma_semaphore, #tpu.memory_space<semaphore_mem>>
        %dma_start3A_167 = arith.constant 0 : i32
        %dma_start3A_168 = arith.constant 0 : i32
        %dma_start3A_169 = tpu.memref_slice %arg7[%run_scoped3A_116, %dma_start3A_167, %dma_start3A_168] : memref<2x2x144xi32, #tpu.memory_space<vmem>> -> memref<1x2x144xi32, #tpu.memory_space<vmem>>
        %dma_start3A_170 = tpu.memref_squeeze %dma_start3A_169 : memref<1x2x144xi32, #tpu.memory_space<vmem>> -> memref<2x144xi32, #tpu.memory_space<vmem>>
        %dma_start3A_171 = arith.constant 0 : i32
        %dma_start3A_172 = arith.constant 0 : i32
        %dma_start3A_173 = tpu.memref_slice %arg3[%add3A, %add3A_115, %dma_start3A_171, %dma_start3A_172] : memref<32x71x2x144xi32, #tpu.memory_space<hbm>> -> memref<1x1x2x144xi32, #tpu.memory_space<hbm>>
        %dma_start3A_174 = tpu.memref_squeeze %dma_start3A_173 : memref<1x1x2x144xi32, #tpu.memory_space<hbm>> -> memref<2x144xi32, #tpu.memory_space<hbm>>
        %dma_start3A_175 = arith.constant 0 : i32
        %dma_start3A_176 = arith.constant 0 : i32
        %dma_start3A_177 = tpu.memref_slice %arg7[%run_scoped3A_116, %dma_start3A_175, %dma_start3A_176] : memref<2x2x144xi32, #tpu.memory_space<vmem>> -> memref<1x2x144xi32, #tpu.memory_space<vmem>>
        %dma_start3A_178 = tpu.memref_squeeze %dma_start3A_177 : memref<1x2x144xi32, #tpu.memory_space<vmem>> -> memref<2x144xi32, #tpu.memory_space<vmem>>
        %dma_start3A_179 = arith.constant 0 : i32
        %dma_start3A_180 = arith.constant 0 : i32
        %dma_start3A_181 = tpu.memref_slice %arg3[%add3A, %add3A_115, %dma_start3A_179, %dma_start3A_180] : memref<32x71x2x144xi32, #tpu.memory_space<hbm>> -> memref<1x1x2x144xi32, #tpu.memory_space<hbm>>
        %dma_start3A_182 = tpu.memref_squeeze %dma_start3A_181 : memref<1x1x2x144xi32, #tpu.memory_space<hbm>> -> memref<2x144xi32, #tpu.memory_space<hbm>>
        tpu.enqueue_dma source(%dma_start3A_182 : memref<2x144xi32, #tpu.memory_space<hbm>>) target(%dma_start3A_178 : memref<2x144xi32, #tpu.memory_space<vmem>>) target_semaphore(%run_scoped3A_166 : memref<!tpu.dma_semaphore, #tpu.memory_space<semaphore_mem>>)
        %dma_wait3A_183 = arith.constant 0 : i32
        %dma_wait3A_184 = arith.constant 0 : i32
        %dma_wait3A_185 = tpu.memref_slice %arg7[%run_scoped3A_116, %dma_wait3A_183, %dma_wait3A_184] : memref<2x2x144xi32, #tpu.memory_space<vmem>> -> memref<1x2x144xi32, #tpu.memory_space<vmem>>
        %dma_wait3A_186 = tpu.memref_squeeze %dma_wait3A_185 : memref<1x2x144xi32, #tpu.memory_space<vmem>> -> memref<2x144xi32, #tpu.memory_space<vmem>>
        %dma_wait3A_187 = arith.constant 0 : i32
        %dma_wait3A_188 = arith.constant 0 : i32
        %dma_wait3A_189 = tpu.memref_slice %arg3[%add3A, %add3A_115, %dma_wait3A_187, %dma_wait3A_188] : memref<32x71x2x144xi32, #tpu.memory_space<hbm>> -> memref<1x1x2x144xi32, #tpu.memory_space<hbm>>
        %dma_wait3A_190 = tpu.memref_squeeze %dma_wait3A_189 : memref<1x1x2x144xi32, #tpu.memory_space<hbm>> -> memref<2x144xi32, #tpu.memory_space<hbm>>
        %dma_wait3A_191 = arith.constant 0 : i32
        %dma_wait3A_192 = arith.constant 0 : i32
        %dma_wait3A_193 = tpu.memref_slice %arg7[%run_scoped3A_116, %dma_wait3A_191, %dma_wait3A_192] : memref<2x2x144xi32, #tpu.memory_space<vmem>> -> memref<1x2x144xi32, #tpu.memory_space<vmem>>
        %dma_wait3A_194 = tpu.memref_squeeze %dma_wait3A_193 : memref<1x2x144xi32, #tpu.memory_space<vmem>> -> memref<2x144xi32, #tpu.memory_space<vmem>>
        %dma_wait3A_195 = arith.constant 0 : i32
        %dma_wait3A_196 = arith.constant 0 : i32
        %dma_wait3A_197 = tpu.memref_slice %arg3[%add3A, %add3A_115, %dma_wait3A_195, %dma_wait3A_196] : memref<32x71x2x144xi32, #tpu.memory_space<hbm>> -> memref<1x1x2x144xi32, #tpu.memory_space<hbm>>
        %dma_wait3A_198 = tpu.memref_squeeze %dma_wait3A_197 : memref<1x1x2x144xi32, #tpu.memory_space<hbm>> -> memref<2x144xi32, #tpu.memory_space<hbm>>
        tpu.wait_dma2 semaphore(%run_scoped3A_166 : memref<!tpu.dma_semaphore, #tpu.memory_space<semaphore_mem>>) src(%dma_wait3A_198 : memref<2x144xi32, #tpu.memory_space<hbm>>) dst(%dma_wait3A_194 : memref<2x144xi32, #tpu.memory_space<vmem>>)
        tpu.yield
      }) : () -> ()
      %dma_start3A_117 = arith.constant 0 : i32
      %dma_start3A_118 = arith.constant 0 : i32
      %dma_start3A_119 = arith.constant 0 : i32
      %dma_start3A_120 = tpu.memref_slice %arg7[%dma_start3A_117, %dma_start3A_118, %dma_start3A_119] : memref<2x2x144xi32, #tpu.memory_space<vmem>> -> memref<1x1x144xi32, #tpu.memory_space<vmem>>
      %dma_start3A_121 = tpu.memref_squeeze %dma_start3A_120 : memref<1x1x144xi32, #tpu.memory_space<vmem>> -> memref<144xi32, #tpu.memory_space<vmem>>
      %dma_start3A_122 = arith.constant 0 : i32
      %dma_start3A_123 = arith.constant 0 : i32
      %dma_start3A_124 = tpu.memref_slice %arg2[%dma_start3A_122, %dma_start3A_123] : memref<10000x128xf32, #tpu.memory_space<hbm>> -> memref<10000x128xf32, #tpu.memory_space<hbm>>
      tpu.enqueue_indirect_dma source(%dma_start3A_124 : memref<10000x128xf32, #tpu.memory_space<hbm>>) target(%arg8 : memref<144x128xf32, #tpu.memory_space<vmem>>) offsets(%dma_start3A_121 : memref<144xi32, #tpu.memory_space<vmem>>) semaphore(%arg11 : memref<!tpu.dma_semaphore, #tpu.memory_space<semaphore_mem>>)
      %mul3A_125 = arith.constant 2 : i32
      %mul3A_126 = arith.muli %mul3A_125, %scan3A_84 : i32
      %add3A_127 = arith.constant 2 : i32
      %add3A_128 = arith.addi %mul3A_126, %add3A_127 : i32
      %sub3A_129 = arith.constant 0 : i32
      %sub3A_130 = arith.subi %add3A_128, %sub3A_129 : i32
      %dma_wait3A_131 = arith.constant 0 : i32
      %dma_wait3A_132 = arith.constant 0 : i32
      %dma_wait3A_133 = arith.constant 0 : i32
      %dma_wait3A_134 = tpu.memref_slice %arg7[%dma_wait3A_131, %dma_wait3A_132, %dma_wait3A_133] : memref<2x2x144xi32, #tpu.memory_space<vmem>> -> memref<1x1x144xi32, #tpu.memory_space<vmem>>
      %dma_wait3A_135 = tpu.memref_squeeze %dma_wait3A_134 : memref<1x1x144xi32, #tpu.memory_space<vmem>> -> memref<144xi32, #tpu.memory_space<vmem>>
      %dma_wait3A_136 = arith.constant 0 : i32
      %dma_wait3A_137 = arith.constant 0 : i32
      %dma_wait3A_138 = tpu.memref_slice %arg2[%dma_wait3A_136, %dma_wait3A_137] : memref<10000x128xf32, #tpu.memory_space<hbm>> -> memref<10000x128xf32, #tpu.memory_space<hbm>>
      tpu.wait_indirect_dma semaphore(%arg11 : memref<!tpu.dma_semaphore, #tpu.memory_space<semaphore_mem>>) src(%dma_wait3A_138 : memref<10000x128xf32, #tpu.memory_space<hbm>>) dst(%arg8 : memref<144x128xf32, #tpu.memory_space<vmem>>)
      %dma_start3A_139 = arith.constant 0 : i32
      %dma_start3A_140 = arith.constant 1 : i32
      %dma_start3A_141 = arith.constant 0 : i32
      %dma_start3A_142 = tpu.memref_slice %arg7[%dma_start3A_139, %dma_start3A_140, %dma_start3A_141] : memref<2x2x144xi32, #tpu.memory_space<vmem>> -> memref<1x1x144xi32, #tpu.memory_space<vmem>>
      %dma_start3A_143 = tpu.memref_squeeze %dma_start3A_142 : memref<1x1x144xi32, #tpu.memory_space<vmem>> -> memref<144xi32, #tpu.memory_space<vmem>>
      %dma_start3A_144 = arith.constant 0 : i32
      %dma_start3A_145 = arith.constant 0 : i32
      %dma_start3A_146 = tpu.memref_slice %arg10[%dma_start3A_144, %dma_start3A_145] : memref<10112x128xf32, #tpu.memory_space<vmem_shared>> -> memref<10112x128xf32, #tpu.memory_space<vmem_shared>>
      tpu.enqueue_indirect_dma source(%arg8 : memref<144x128xf32, #tpu.memory_space<vmem>>) target(%dma_start3A_146 : memref<10112x128xf32, #tpu.memory_space<vmem_shared>>) offsets(%dma_start3A_143 : memref<144xi32, #tpu.memory_space<vmem>>) semaphore(%arg13 : memref<!tpu.dma_semaphore, #tpu.memory_space<semaphore_mem>>) {add = true}
      %dma_wait3A_147 = arith.constant 1 : i32
      %dma_wait3A_148 = arith.constant 1 : i32
      %dma_wait3A_149 = arith.constant 0 : i32
      %dma_wait3A_150 = tpu.memref_slice %arg7[%dma_wait3A_147, %dma_wait3A_148, %dma_wait3A_149] : memref<2x2x144xi32, #tpu.memory_space<vmem>> -> memref<1x1x144xi32, #tpu.memory_space<vmem>>
      %dma_wait3A_151 = tpu.memref_squeeze %dma_wait3A_150 : memref<1x1x144xi32, #tpu.memory_space<vmem>> -> memref<144xi32, #tpu.memory_space<vmem>>
      %dma_wait3A_152 = arith.constant 0 : i32
      %dma_wait3A_153 = arith.constant 0 : i32
      %dma_wait3A_154 = tpu.memref_slice %arg10[%dma_wait3A_152, %dma_wait3A_153] : memref<10112x128xf32, #tpu.memory_space<vmem_shared>> -> memref<10112x128xf32, #tpu.memory_space<vmem_shared>>
      tpu.wait_indirect_dma semaphore(%arg14 : memref<!tpu.dma_semaphore, #tpu.memory_space<semaphore_mem>>) src(%arg9 : memref<144x128xf32, #tpu.memory_space<vmem>>) dst(%dma_wait3A_154 : memref<10112x128xf32, #tpu.memory_space<vmem_shared>>)
      %add3A_155 = arith.constant 1 : i32
      %add3A_156 = arith.addi %sub3A_130, %add3A_155 : i32
      %run_scoped3A_157 = arith.constant 1 : i32
      "tpu.region"() ({
        %run_scoped3A_166 = tpu.sem_alloc : memref<!tpu.dma_semaphore, #tpu.memory_space<semaphore_mem>>
        %dma_start3A_167 = arith.constant 0 : i32
        %dma_start3A_168 = arith.constant 0 : i32
        %dma_start3A_169 = tpu.memref_slice %arg7[%run_scoped3A_157, %dma_start3A_167, %dma_start3A_168] : memref<2x2x144xi32, #tpu.memory_space<vmem>> -> memref<1x2x144xi32, #tpu.memory_space<vmem>>
        %dma_start3A_170 = tpu.memref_squeeze %dma_start3A_169 : memref<1x2x144xi32, #tpu.memory_space<vmem>> -> memref<2x144xi32, #tpu.memory_space<vmem>>
        %dma_start3A_171 = arith.constant 0 : i32
        %dma_start3A_172 = arith.constant 0 : i32
        %dma_start3A_173 = tpu.memref_slice %arg3[%add3A, %add3A_156, %dma_start3A_171, %dma_start3A_172] : memref<32x71x2x144xi32, #tpu.memory_space<hbm>> -> memref<1x1x2x144xi32, #tpu.memory_space<hbm>>
        %dma_start3A_174 = tpu.memref_squeeze %dma_start3A_173 : memref<1x1x2x144xi32, #tpu.memory_space<hbm>> -> memref<2x144xi32, #tpu.memory_space<hbm>>
        %dma_start3A_175 = arith.constant 0 : i32
        %dma_start3A_176 = arith.constant 0 : i32
        %dma_start3A_177 = tpu.memref_slice %arg7[%run_scoped3A_157, %dma_start3A_175, %dma_start3A_176] : memref<2x2x144xi32, #tpu.memory_space<vmem>> -> memref<1x2x144xi32, #tpu.memory_space<vmem>>
        %dma_start3A_178 = tpu.memref_squeeze %dma_start3A_177 : memref<1x2x144xi32, #tpu.memory_space<vmem>> -> memref<2x144xi32, #tpu.memory_space<vmem>>
        %dma_start3A_179 = arith.constant 0 : i32
        %dma_start3A_180 = arith.constant 0 : i32
        %dma_start3A_181 = tpu.memref_slice %arg3[%add3A, %add3A_156, %dma_start3A_179, %dma_start3A_180] : memref<32x71x2x144xi32, #tpu.memory_space<hbm>> -> memref<1x1x2x144xi32, #tpu.memory_space<hbm>>
        %dma_start3A_182 = tpu.memref_squeeze %dma_start3A_181 : memref<1x1x2x144xi32, #tpu.memory_space<hbm>> -> memref<2x144xi32, #tpu.memory_space<hbm>>
        tpu.enqueue_dma source(%dma_start3A_182 : memref<2x144xi32, #tpu.memory_space<hbm>>) target(%dma_start3A_178 : memref<2x144xi32, #tpu.memory_space<vmem>>) target_semaphore(%run_scoped3A_166 : memref<!tpu.dma_semaphore, #tpu.memory_space<semaphore_mem>>)
        %dma_wait3A_183 = arith.constant 0 : i32
        %dma_wait3A_184 = arith.constant 0 : i32
        %dma_wait3A_185 = tpu.memref_slice %arg7[%run_scoped3A_157, %dma_wait3A_183, %dma_wait3A_184] : memref<2x2x144xi32, #tpu.memory_space<vmem>> -> memref<1x2x144xi32, #tpu.memory_space<vmem>>
        %dma_wait3A_186 = tpu.memref_squeeze %dma_wait3A_185 : memref<1x2x144xi32, #tpu.memory_space<vmem>> -> memref<2x144xi32, #tpu.memory_space<vmem>>
        %dma_wait3A_187 = arith.constant 0 : i32
        %dma_wait3A_188 = arith.constant 0 : i32
        %dma_wait3A_189 = tpu.memref_slice %arg3[%add3A, %add3A_156, %dma_wait3A_187, %dma_wait3A_188] : memref<32x71x2x144xi32, #tpu.memory_space<hbm>> -> memref<1x1x2x144xi32, #tpu.memory_space<hbm>>
        %dma_wait3A_190 = tpu.memref_squeeze %dma_wait3A_189 : memref<1x1x2x144xi32, #tpu.memory_space<hbm>> -> memref<2x144xi32, #tpu.memory_space<hbm>>
        %dma_wait3A_191 = arith.constant 0 : i32
        %dma_wait3A_192 = arith.constant 0 : i32
        %dma_wait3A_193 = tpu.memref_slice %arg7[%run_scoped3A_157, %dma_wait3A_191, %dma_wait3A_192] : memref<2x2x144xi32, #tpu.memory_space<vmem>> -> memref<1x2x144xi32, #tpu.memory_space<vmem>>
        %dma_wait3A_194 = tpu.memref_squeeze %dma_wait3A_193 : memref<1x2x144xi32, #tpu.memory_space<vmem>> -> memref<2x144xi32, #tpu.memory_space<vmem>>
        %dma_wait3A_195 = arith.constant 0 : i32
        %dma_wait3A_196 = arith.constant 0 : i32
        %dma_wait3A_197 = tpu.memref_slice %arg3[%add3A, %add3A_156, %dma_wait3A_195, %dma_wait3A_196] : memref<32x71x2x144xi32, #tpu.memory_space<hbm>> -> memref<1x1x2x144xi32, #tpu.memory_space<hbm>>
        %dma_wait3A_198 = tpu.memref_squeeze %dma_wait3A_197 : memref<1x1x2x144xi32, #tpu.memory_space<hbm>> -> memref<2x144xi32, #tpu.memory_space<hbm>>
        tpu.wait_dma2 semaphore(%run_scoped3A_166 : memref<!tpu.dma_semaphore, #tpu.memory_space<semaphore_mem>>) src(%dma_wait3A_198 : memref<2x144xi32, #tpu.memory_space<hbm>>) dst(%dma_wait3A_194 : memref<2x144xi32, #tpu.memory_space<vmem>>)
        tpu.yield
      }) : () -> ()
      %dma_start3A_158 = arith.constant 1 : i32
      %dma_start3A_159 = arith.constant 0 : i32
      %dma_start3A_160 = arith.constant 0 : i32
      %dma_start3A_161 = tpu.memref_slice %arg7[%dma_start3A_158, %dma_start3A_159, %dma_start3A_160] : memref<2x2x144xi32, #tpu.memory_space<vmem>> -> memref<1x1x144xi32, #tpu.memory_space<vmem>>
      %dma_start3A_162 = tpu.memref_squeeze %dma_start3A_161 : memref<1x1x144xi32, #tpu.memory_space<vmem>> -> memref<144xi32, #tpu.memory_space<vmem>>
      %dma_start3A_163 = arith.constant 0 : i32
      %dma_start3A_164 = arith.constant 0 : i32
      %dma_start3A_165 = tpu.memref_slice %arg2[%dma_start3A_163, %dma_start3A_164] : memref<10000x128xf32, #tpu.memory_space<hbm>> -> memref<10000x128xf32, #tpu.memory_space<hbm>>
      tpu.enqueue_indirect_dma source(%dma_start3A_165 : memref<10000x128xf32, #tpu.memory_space<hbm>>) target(%arg9 : memref<144x128xf32, #tpu.memory_space<vmem>>) offsets(%dma_start3A_162 : memref<144xi32, #tpu.memory_space<vmem>>) semaphore(%arg12 : memref<!tpu.dma_semaphore, #tpu.memory_space<semaphore_mem>>)
    }
    %scan3A_41 = arith.constant 34 : i32
    %dma_wait3A_42 = arith.constant 1 : i32
    %dma_wait3A_43 = arith.constant 0 : i32
    %dma_wait3A_44 = arith.constant 0 : i32
    %dma_wait3A_45 = tpu.memref_slice %arg7[%dma_wait3A_42, %dma_wait3A_43, %dma_wait3A_44] : memref<2x2x144xi32, #tpu.memory_space<vmem>> -> memref<1x1x144xi32, #tpu.memory_space<vmem>>
    %dma_wait3A_46 = tpu.memref_squeeze %dma_wait3A_45 : memref<1x1x144xi32, #tpu.memory_space<vmem>> -> memref<144xi32, #tpu.memory_space<vmem>>
    %dma_wait3A_47 = arith.constant 0 : i32
    %dma_wait3A_48 = arith.constant 0 : i32
    %dma_wait3A_49 = tpu.memref_slice %arg2[%dma_wait3A_47, %dma_wait3A_48] : memref<10000x128xf32, #tpu.memory_space<hbm>> -> memref<10000x128xf32, #tpu.memory_space<hbm>>
    tpu.wait_indirect_dma semaphore(%arg12 : memref<!tpu.dma_semaphore, #tpu.memory_space<semaphore_mem>>) src(%dma_wait3A_49 : memref<10000x128xf32, #tpu.memory_space<hbm>>) dst(%arg9 : memref<144x128xf32, #tpu.memory_space<vmem>>)
    %dma_start3A_50 = arith.constant 1 : i32
    %dma_start3A_51 = arith.constant 1 : i32
    %dma_start3A_52 = arith.constant 0 : i32
    %dma_start3A_53 = tpu.memref_slice %arg7[%dma_start3A_50, %dma_start3A_51, %dma_start3A_52] : memref<2x2x144xi32, #tpu.memory_space<vmem>> -> memref<1x1x144xi32, #tpu.memory_space<vmem>>
    %dma_start3A_54 = tpu.memref_squeeze %dma_start3A_53 : memref<1x1x144xi32, #tpu.memory_space<vmem>> -> memref<144xi32, #tpu.memory_space<vmem>>
    %dma_start3A_55 = arith.constant 0 : i32
    %dma_start3A_56 = arith.constant 0 : i32
    %dma_start3A_57 = tpu.memref_slice %arg10[%dma_start3A_55, %dma_start3A_56] : memref<10112x128xf32, #tpu.memory_space<vmem_shared>> -> memref<10112x128xf32, #tpu.memory_space<vmem_shared>>
    tpu.enqueue_indirect_dma source(%arg9 : memref<144x128xf32, #tpu.memory_space<vmem>>) target(%dma_start3A_57 : memref<10112x128xf32, #tpu.memory_space<vmem_shared>>) offsets(%dma_start3A_54 : memref<144xi32, #tpu.memory_space<vmem>>) semaphore(%arg14 : memref<!tpu.dma_semaphore, #tpu.memory_space<semaphore_mem>>) {add = true}
    %dma_wait3A_58 = arith.constant 0 : i32
    %dma_wait3A_59 = arith.constant 1 : i32
    %dma_wait3A_60 = arith.constant 0 : i32
    %dma_wait3A_61 = tpu.memref_slice %arg7[%dma_wait3A_58, %dma_wait3A_59, %dma_wait3A_60] : memref<2x2x144xi32, #tpu.memory_space<vmem>> -> memref<1x1x144xi32, #tpu.memory_space<vmem>>
    %dma_wait3A_62 = tpu.memref_squeeze %dma_wait3A_61 : memref<1x1x144xi32, #tpu.memory_space<vmem>> -> memref<144xi32, #tpu.memory_space<vmem>>
    %dma_wait3A_63 = arith.constant 0 : i32
    %dma_wait3A_64 = arith.constant 0 : i32
    %dma_wait3A_65 = tpu.memref_slice %arg10[%dma_wait3A_63, %dma_wait3A_64] : memref<10112x128xf32, #tpu.memory_space<vmem_shared>> -> memref<10112x128xf32, #tpu.memory_space<vmem_shared>>
    tpu.wait_indirect_dma semaphore(%arg13 : memref<!tpu.dma_semaphore, #tpu.memory_space<semaphore_mem>>) src(%arg8 : memref<144x128xf32, #tpu.memory_space<vmem>>) dst(%dma_wait3A_65 : memref<10112x128xf32, #tpu.memory_space<vmem_shared>>)
    %dma_wait3A_66 = arith.constant 1 : i32
    %dma_wait3A_67 = arith.constant 1 : i32
    %dma_wait3A_68 = arith.constant 0 : i32
    %dma_wait3A_69 = tpu.memref_slice %arg7[%dma_wait3A_66, %dma_wait3A_67, %dma_wait3A_68] : memref<2x2x144xi32, #tpu.memory_space<vmem>> -> memref<1x1x144xi32, #tpu.memory_space<vmem>>
    %dma_wait3A_70 = tpu.memref_squeeze %dma_wait3A_69 : memref<1x1x144xi32, #tpu.memory_space<vmem>> -> memref<144xi32, #tpu.memory_space<vmem>>
    %dma_wait3A_71 = arith.constant 0 : i32
    %dma_wait3A_72 = arith.constant 0 : i32
    %dma_wait3A_73 = tpu.memref_slice %arg10[%dma_wait3A_71, %dma_wait3A_72] : memref<10112x128xf32, #tpu.memory_space<vmem_shared>> -> memref<10112x128xf32, #tpu.memory_space<vmem_shared>>
    tpu.wait_indirect_dma semaphore(%arg14 : memref<!tpu.dma_semaphore, #tpu.memory_space<semaphore_mem>>) src(%arg9 : memref<144x128xf32, #tpu.memory_space<vmem>>) dst(%dma_wait3A_73 : memref<10112x128xf32, #tpu.memory_space<vmem_shared>>)
    %barrier3A_74 = arith.constant 0 : index
    tpu.barrier barrier_id(%barrier3A_74)
    %mul3A_75 = arith.constant 632 : i32
    %mul3A_76 = arith.muli %arg1, %mul3A_75 : i32
    %eq3A = arith.constant 0 : i32
    %eq3A_77 = arith.cmpi eq, %arg0, %eq3A : i32
    %convert_element_type3A = arith.extui %eq3A_77 : i1 to i32
    %cond3A = arith.constant 0 : i32
    %cond3A_78 = arith.cmpi ne, %convert_element_type3A, %cond3A : i32
    scf.if %cond3A_78 {
      "tpu.region"() ({
        %run_scoped3A_84 = tpu.sem_alloc : memref<!tpu.dma_semaphore, #tpu.memory_space<semaphore_mem>>
        %dma_start3A_85 = arith.constant 0 : i32
        %dma_start3A_86 = tpu.memref_slice %arg5[%mul3A_76, %dma_start3A_85] : memref<10112x128xf32, #tpu.memory_space<hbm>> -> memref<632x128xf32, #tpu.memory_space<hbm>>
        %dma_start3A_87 = arith.constant 0 : i32
        %dma_start3A_88 = tpu.memref_slice %arg10[%mul3A_76, %dma_start3A_87] : memref<10112x128xf32, #tpu.memory_space<vmem_shared>> -> memref<632x128xf32, #tpu.memory_space<vmem_shared>>
        tpu.enqueue_dma source(%dma_start3A_88 : memref<632x128xf32, #tpu.memory_space<vmem_shared>>) target(%dma_start3A_86 : memref<632x128xf32, #tpu.memory_space<hbm>>) target_semaphore(%run_scoped3A_84 : memref<!tpu.dma_semaphore, #tpu.memory_space<semaphore_mem>>)
        %dma_wait3A_89 = arith.constant 0 : i32
        %dma_wait3A_90 = tpu.memref_slice %arg5[%mul3A_76, %dma_wait3A_89] : memref<10112x128xf32, #tpu.memory_space<hbm>> -> memref<632x128xf32, #tpu.memory_space<hbm>>
        %dma_wait3A_91 = arith.constant 0 : i32
        %dma_wait3A_92 = tpu.memref_slice %arg10[%mul3A_76, %dma_wait3A_91] : memref<10112x128xf32, #tpu.memory_space<vmem_shared>> -> memref<632x128xf32, #tpu.memory_space<vmem_shared>>
        tpu.wait_dma2 semaphore(%run_scoped3A_84 : memref<!tpu.dma_semaphore, #tpu.memory_space<semaphore_mem>>) src(%dma_wait3A_92 : memref<632x128xf32, #tpu.memory_space<vmem_shared>>) dst(%dma_wait3A_90 : memref<632x128xf32, #tpu.memory_space<hbm>>)
        tpu.yield
      }) : () -> ()
    } else {
    }
    %eq3A_79 = arith.constant 1 : i32
    %eq3A_80 = arith.cmpi eq, %arg0, %eq3A_79 : i32
    %convert_element_type3A_81 = arith.extui %eq3A_80 : i1 to i32
    %cond3A_82 = arith.constant 0 : i32
    %cond3A_83 = arith.cmpi ne, %convert_element_type3A_81, %cond3A_82 : i32
    scf.if %cond3A_83 {
      "tpu.region"() ({
        %run_scoped3A_84 = tpu.sem_alloc : memref<!tpu.dma_semaphore, #tpu.memory_space<semaphore_mem>>
        %dma_start3A_85 = arith.constant 0 : i32
        %dma_start3A_86 = tpu.memref_slice %arg6[%mul3A_76, %dma_start3A_85] : memref<10112x128xf32, #tpu.memory_space<hbm>> -> memref<632x128xf32, #tpu.memory_space<hbm>>
        %dma_start3A_87 = arith.constant 0 : i32
        %dma_start3A_88 = tpu.memref_slice %arg10[%mul3A_76, %dma_start3A_87] : memref<10112x128xf32, #tpu.memory_space<vmem_shared>> -> memref<632x128xf32, #tpu.memory_space<vmem_shared>>
        tpu.enqueue_dma source(%dma_start3A_88 : memref<632x128xf32, #tpu.memory_space<vmem_shared>>) target(%dma_start3A_86 : memref<632x128xf32, #tpu.memory_space<hbm>>) target_semaphore(%run_scoped3A_84 : memref<!tpu.dma_semaphore, #tpu.memory_space<semaphore_mem>>)
        %dma_wait3A_89 = arith.constant 0 : i32
        %dma_wait3A_90 = tpu.memref_slice %arg6[%mul3A_76, %dma_wait3A_89] : memref<10112x128xf32, #tpu.memory_space<hbm>> -> memref<632x128xf32, #tpu.memory_space<hbm>>
        %dma_wait3A_91 = arith.constant 0 : i32
        %dma_wait3A_92 = tpu.memref_slice %arg10[%mul3A_76, %dma_wait3A_91] : memref<10112x128xf32, #tpu.memory_space<vmem_shared>> -> memref<632x128xf32, #tpu.memory_space<vmem_shared>>
        tpu.wait_dma2 semaphore(%run_scoped3A_84 : memref<!tpu.dma_semaphore, #tpu.memory_space<semaphore_mem>>) src(%dma_wait3A_92 : memref<632x128xf32, #tpu.memory_space<vmem_shared>>) dst(%dma_wait3A_90 : memref<632x128xf32, #tpu.memory_space<hbm>>)
        tpu.yield
      }) : () -> ()
    } else {
    }
    return
  }
}

#map = affine_map<(d0, d1) -> (0, 0)>
#map1 = affine_map<(d0, d1) -> (0, 0, 0, 0)>
module attributes {stable_mosaic.version = 14 : i64} {
  func.func @body(%arg0: i32, %arg1: i32, %arg2: memref<10000x128xf32, #tpu.memory_space<hbm>>, %arg3: memref<32x71x2x144xi32, #tpu.memory_space<hbm>>, %arg4: memref<632x128xf32, #tpu.memory_space<hbm>>, %arg5: memref<10112x128xf32, #tpu.memory_space<hbm>>, %arg6: memref<10112x128xf32, #tpu.memory_space<hbm>>, %arg7: memref<32x10112xf32, #tpu.memory_space<hbm>>, %arg8: memref<2x2x144xi32, #tpu.memory_space<vmem>>, %arg9: memref<144x128xf32, #tpu.memory_space<vmem>>, %arg10: memref<144x128xf32, #tpu.memory_space<vmem>>, %arg11: memref<10112x128xf32, #tpu.memory_space<vmem_shared>>, %arg12: memref<!tpu.dma_semaphore, #tpu.memory_space<semaphore_mem>>, %arg13: memref<!tpu.dma_semaphore, #tpu.memory_space<semaphore_mem>>, %arg14: memref<!tpu.dma_semaphore, #tpu.memory_space<semaphore_mem>>, %arg15: memref<!tpu.dma_semaphore, #tpu.memory_space<semaphore_mem>>, %arg16: memref<10112xf32, #tpu.memory_space<vmem>>) attributes {dimension_semantics = [#tpu.dimension_semantics<core_parallel>, #tpu.dimension_semantics<subcore_parallel>], iteration_bounds = array<i64: 2, 16>, scalar_prefetch = 0 : i64, scratch_operands = 9 : i64, tpu.core_type = #tpu.core_type<sc_vector_subcore>, window_params = [{transform_indices = #map}, {transform_indices = #map1}, {transform_indices = #map}, {transform_indices = #map}, {transform_indices = #map}, {transform_indices = #map}]} {
    %mul3A = arith.constant 16 : i32
    %mul3A_0 = arith.muli %arg0, %mul3A : i32
    %add3A = arith.addi %mul3A_0, %arg1 : i32
    %mul3A_1 = arith.constant 632 : i32
    %mul3A_2 = arith.muli %arg1, %mul3A_1 : i32
    "tpu.region"() ({
      %run_scoped3A_199 = tpu.sem_alloc : memref<!tpu.dma_semaphore, #tpu.memory_space<semaphore_mem>>
      %dma_start3A_200 = arith.constant 0 : i32
      %dma_start3A_201 = tpu.memref_slice %arg11[%mul3A_2, %dma_start3A_200] : memref<10112x128xf32, #tpu.memory_space<vmem_shared>> -> memref<632x128xf32, #tpu.memory_space<vmem_shared>>
      tpu.enqueue_dma source(%arg4 : memref<632x128xf32, #tpu.memory_space<hbm>>) target(%dma_start3A_201 : memref<632x128xf32, #tpu.memory_space<vmem_shared>>) target_semaphore(%run_scoped3A_199 : memref<!tpu.dma_semaphore, #tpu.memory_space<semaphore_mem>>)
      %dma_wait3A_202 = arith.constant 0 : i32
      %dma_wait3A_203 = tpu.memref_slice %arg11[%mul3A_2, %dma_wait3A_202] : memref<10112x128xf32, #tpu.memory_space<vmem_shared>> -> memref<632x128xf32, #tpu.memory_space<vmem_shared>>
      tpu.wait_dma2 semaphore(%run_scoped3A_199 : memref<!tpu.dma_semaphore, #tpu.memory_space<semaphore_mem>>) src(%arg4 : memref<632x128xf32, #tpu.memory_space<hbm>>) dst(%dma_wait3A_203 : memref<632x128xf32, #tpu.memory_space<vmem_shared>>)
      tpu.yield
    }) : () -> ()
    %broadcast_in_dim3A = arith.constant 0.000000e+00 : f32
    %broadcast_in_dim3A_3 = vector.broadcast %broadcast_in_dim3A : f32 to vector<16xf32>
    %scan3A = arith.constant 0 : i32
    %scan3A_4 = arith.constant 0 : i32
    %scan3A_5 = arith.constant 632 : i32
    %scan3A_6 = arith.addi %scan3A_4, %scan3A_5 : i32
    %scan3A_7 = arith.constant 1 : i32
    scf.for %scan3A_199 = %scan3A_4 to %scan3A_6 step %scan3A_7  : i32 {
      %mul3A_200 = arith.constant 16 : i32
      %mul3A_201 = arith.muli %scan3A_199, %mul3A_200 : i32
      %swap3A = arith.index_cast %mul3A_201 : i32 to index
      %swap3A_202 = tpu.vector_load %arg16[%swap3A] {strides = array<i32>} : memref<10112xf32, #tpu.memory_space<vmem>>, vector<16xf32>,
      tpu.vector_store %arg16[%swap3A], %broadcast_in_dim3A_3 {strides = array<i32>} : memref<10112xf32, #tpu.memory_space<vmem>>, vector<16xf32>,
    }
    %scan3A_8 = arith.constant 632 : i32
    %barrier3A = arith.constant 0 : index
    tpu.barrier barrier_id(%barrier3A)
    %broadcast_in_dim3A_9 = arith.constant 1.000000e+00 : f32
    %broadcast_in_dim3A_10 = vector.broadcast %broadcast_in_dim3A_9 : f32 to vector<16xf32>
    %run_scoped3A = arith.constant 0 : i32
    %run_scoped3A_11 = arith.constant 0 : i32
    "tpu.region"() ({
      %run_scoped3A_199 = tpu.sem_alloc : memref<!tpu.dma_semaphore, #tpu.memory_space<semaphore_mem>>
      %dma_start3A_200 = arith.constant 0 : i32
      %dma_start3A_201 = arith.constant 0 : i32
      %dma_start3A_202 = tpu.memref_slice %arg8[%run_scoped3A_11, %dma_start3A_200, %dma_start3A_201] : memref<2x2x144xi32, #tpu.memory_space<vmem>> -> memref<1x2x144xi32, #tpu.memory_space<vmem>>
      %dma_start3A_203 = tpu.memref_squeeze %dma_start3A_202 : memref<1x2x144xi32, #tpu.memory_space<vmem>> -> memref<2x144xi32, #tpu.memory_space<vmem>>
      %dma_start3A_204 = arith.constant 0 : i32
      %dma_start3A_205 = arith.constant 0 : i32
      %dma_start3A_206 = tpu.memref_slice %arg3[%add3A, %run_scoped3A, %dma_start3A_204, %dma_start3A_205] : memref<32x71x2x144xi32, #tpu.memory_space<hbm>> -> memref<1x1x2x144xi32, #tpu.memory_space<hbm>>
      %dma_start3A_207 = tpu.memref_squeeze %dma_start3A_206 : memref<1x1x2x144xi32, #tpu.memory_space<hbm>> -> memref<2x144xi32, #tpu.memory_space<hbm>>
      %dma_start3A_208 = arith.constant 0 : i32
      %dma_start3A_209 = arith.constant 0 : i32
      %dma_start3A_210 = tpu.memref_slice %arg8[%run_scoped3A_11, %dma_start3A_208, %dma_start3A_209] : memref<2x2x144xi32, #tpu.memory_space<vmem>> -> memref<1x2x144xi32, #tpu.memory_space<vmem>>
      %dma_start3A_211 = tpu.memref_squeeze %dma_start3A_210 : memref<1x2x144xi32, #tpu.memory_space<vmem>> -> memref<2x144xi32, #tpu.memory_space<vmem>>
      %dma_start3A_212 = arith.constant 0 : i32
      %dma_start3A_213 = arith.constant 0 : i32
      %dma_start3A_214 = tpu.memref_slice %arg3[%add3A, %run_scoped3A, %dma_start3A_212, %dma_start3A_213] : memref<32x71x2x144xi32, #tpu.memory_space<hbm>> -> memref<1x1x2x144xi32, #tpu.memory_space<hbm>>
      %dma_start3A_215 = tpu.memref_squeeze %dma_start3A_214 : memref<1x1x2x144xi32, #tpu.memory_space<hbm>> -> memref<2x144xi32, #tpu.memory_space<hbm>>
      tpu.enqueue_dma source(%dma_start3A_215 : memref<2x144xi32, #tpu.memory_space<hbm>>) target(%dma_start3A_211 : memref<2x144xi32, #tpu.memory_space<vmem>>) target_semaphore(%run_scoped3A_199 : memref<!tpu.dma_semaphore, #tpu.memory_space<semaphore_mem>>)
      %dma_wait3A_216 = arith.constant 0 : i32
      %dma_wait3A_217 = arith.constant 0 : i32
      %dma_wait3A_218 = tpu.memref_slice %arg8[%run_scoped3A_11, %dma_wait3A_216, %dma_wait3A_217] : memref<2x2x144xi32, #tpu.memory_space<vmem>> -> memref<1x2x144xi32, #tpu.memory_space<vmem>>
      %dma_wait3A_219 = tpu.memref_squeeze %dma_wait3A_218 : memref<1x2x144xi32, #tpu.memory_space<vmem>> -> memref<2x144xi32, #tpu.memory_space<vmem>>
      %dma_wait3A_220 = arith.constant 0 : i32
      %dma_wait3A_221 = arith.constant 0 : i32
      %dma_wait3A_222 = tpu.memref_slice %arg3[%add3A, %run_scoped3A, %dma_wait3A_220, %dma_wait3A_221] : memref<32x71x2x144xi32, #tpu.memory_space<hbm>> -> memref<1x1x2x144xi32, #tpu.memory_space<hbm>>
      %dma_wait3A_223 = tpu.memref_squeeze %dma_wait3A_222 : memref<1x1x2x144xi32, #tpu.memory_space<hbm>> -> memref<2x144xi32, #tpu.memory_space<hbm>>
      %dma_wait3A_224 = arith.constant 0 : i32
      %dma_wait3A_225 = arith.constant 0 : i32
      %dma_wait3A_226 = tpu.memref_slice %arg8[%run_scoped3A_11, %dma_wait3A_224, %dma_wait3A_225] : memref<2x2x144xi32, #tpu.memory_space<vmem>> -> memref<1x2x144xi32, #tpu.memory_space<vmem>>
      %dma_wait3A_227 = tpu.memref_squeeze %dma_wait3A_226 : memref<1x2x144xi32, #tpu.memory_space<vmem>> -> memref<2x144xi32, #tpu.memory_space<vmem>>
      %dma_wait3A_228 = arith.constant 0 : i32
      %dma_wait3A_229 = arith.constant 0 : i32
      %dma_wait3A_230 = tpu.memref_slice %arg3[%add3A, %run_scoped3A, %dma_wait3A_228, %dma_wait3A_229] : memref<32x71x2x144xi32, #tpu.memory_space<hbm>> -> memref<1x1x2x144xi32, #tpu.memory_space<hbm>>
      %dma_wait3A_231 = tpu.memref_squeeze %dma_wait3A_230 : memref<1x1x2x144xi32, #tpu.memory_space<hbm>> -> memref<2x144xi32, #tpu.memory_space<hbm>>
      tpu.wait_dma2 semaphore(%run_scoped3A_199 : memref<!tpu.dma_semaphore, #tpu.memory_space<semaphore_mem>>) src(%dma_wait3A_231 : memref<2x144xi32, #tpu.memory_space<hbm>>) dst(%dma_wait3A_227 : memref<2x144xi32, #tpu.memory_space<vmem>>)
      tpu.yield
    }) : () -> ()
    %dma_start3A = arith.constant 0 : i32
    %dma_start3A_12 = arith.constant 0 : i32
    %dma_start3A_13 = arith.constant 0 : i32
    %dma_start3A_14 = tpu.memref_slice %arg8[%dma_start3A, %dma_start3A_12, %dma_start3A_13] : memref<2x2x144xi32, #tpu.memory_space<vmem>> -> memref<1x1x144xi32, #tpu.memory_space<vmem>>
    %dma_start3A_15 = tpu.memref_squeeze %dma_start3A_14 : memref<1x1x144xi32, #tpu.memory_space<vmem>> -> memref<144xi32, #tpu.memory_space<vmem>>
    %dma_start3A_16 = arith.constant 0 : i32
    %dma_start3A_17 = arith.constant 0 : i32
    %dma_start3A_18 = tpu.memref_slice %arg2[%dma_start3A_16, %dma_start3A_17] : memref<10000x128xf32, #tpu.memory_space<hbm>> -> memref<10000x128xf32, #tpu.memory_space<hbm>>
    tpu.enqueue_indirect_dma source(%dma_start3A_18 : memref<10000x128xf32, #tpu.memory_space<hbm>>) target(%arg9 : memref<144x128xf32, #tpu.memory_space<vmem>>) offsets(%dma_start3A_15 : memref<144xi32, #tpu.memory_space<vmem>>) semaphore(%arg12 : memref<!tpu.dma_semaphore, #tpu.memory_space<semaphore_mem>>)
    %dma_wait3A = arith.constant 0 : i32
    %dma_wait3A_19 = arith.constant 0 : i32
    %dma_wait3A_20 = arith.constant 0 : i32
    %dma_wait3A_21 = tpu.memref_slice %arg8[%dma_wait3A, %dma_wait3A_19, %dma_wait3A_20] : memref<2x2x144xi32, #tpu.memory_space<vmem>> -> memref<1x1x144xi32, #tpu.memory_space<vmem>>
    %dma_wait3A_22 = tpu.memref_squeeze %dma_wait3A_21 : memref<1x1x144xi32, #tpu.memory_space<vmem>> -> memref<144xi32, #tpu.memory_space<vmem>>
    %dma_wait3A_23 = arith.constant 0 : i32
    %dma_wait3A_24 = arith.constant 0 : i32
    %dma_wait3A_25 = tpu.memref_slice %arg2[%dma_wait3A_23, %dma_wait3A_24] : memref<10000x128xf32, #tpu.memory_space<hbm>> -> memref<10000x128xf32, #tpu.memory_space<hbm>>
    tpu.wait_indirect_dma semaphore(%arg12 : memref<!tpu.dma_semaphore, #tpu.memory_space<semaphore_mem>>) src(%dma_wait3A_25 : memref<10000x128xf32, #tpu.memory_space<hbm>>) dst(%arg9 : memref<144x128xf32, #tpu.memory_space<vmem>>)
    %get3A = arith.constant 0 : i32
    %get3A_26 = arith.constant 1 : i32
    %get3A_27 = arith.index_cast %get3A : i32 to index
    %get3A_28 = arith.index_cast %get3A_26 : i32 to index
    %get3A_29 = arith.constant 0 : index
    %get3A_30 = tpu.vector_load %arg8[%get3A_27, %get3A_28, %get3A_29] {strides = array<i32>} : memref<2x2x144xi32, #tpu.memory_space<vmem>>, vector<16xi32>,
    tpu.vector_store_idx %arg16[%get3A_30], %broadcast_in_dim3A_10 {add = true} : memref<10112xf32, #tpu.memory_space<vmem>>[vector<16xi32>], vector<16xf32>,
    %get3A_31 = arith.constant 0 : i32
    %get3A_32 = arith.constant 1 : i32
    %get3A_33 = arith.index_cast %get3A_31 : i32 to index
    %get3A_34 = arith.index_cast %get3A_32 : i32 to index
    %get3A_35 = arith.constant 16 : index
    %get3A_36 = tpu.vector_load %arg8[%get3A_33, %get3A_34, %get3A_35] {strides = array<i32>} : memref<2x2x144xi32, #tpu.memory_space<vmem>>, vector<16xi32>,
    tpu.vector_store_idx %arg16[%get3A_36], %broadcast_in_dim3A_10 {add = true} : memref<10112xf32, #tpu.memory_space<vmem>>[vector<16xi32>], vector<16xf32>,
    %get3A_37 = arith.constant 0 : i32
    %get3A_38 = arith.constant 1 : i32
    %get3A_39 = arith.index_cast %get3A_37 : i32 to index
    %get3A_40 = arith.index_cast %get3A_38 : i32 to index
    %get3A_41 = arith.constant 32 : index
    %get3A_42 = tpu.vector_load %arg8[%get3A_39, %get3A_40, %get3A_41] {strides = array<i32>} : memref<2x2x144xi32, #tpu.memory_space<vmem>>, vector<16xi32>,
    tpu.vector_store_idx %arg16[%get3A_42], %broadcast_in_dim3A_10 {add = true} : memref<10112xf32, #tpu.memory_space<vmem>>[vector<16xi32>], vector<16xf32>,
    %get3A_43 = arith.constant 0 : i32
    %get3A_44 = arith.constant 1 : i32
    %get3A_45 = arith.index_cast %get3A_43 : i32 to index
    %get3A_46 = arith.index_cast %get3A_44 : i32 to index
    %get3A_47 = arith.constant 48 : index
    %get3A_48 = tpu.vector_load %arg8[%get3A_45, %get3A_46, %get3A_47] {strides = array<i32>} : memref<2x2x144xi32, #tpu.memory_space<vmem>>, vector<16xi32>,
    tpu.vector_store_idx %arg16[%get3A_48], %broadcast_in_dim3A_10 {add = true} : memref<10112xf32, #tpu.memory_space<vmem>>[vector<16xi32>], vector<16xf32>,
    %get3A_49 = arith.constant 0 : i32
    %get3A_50 = arith.constant 1 : i32
    %get3A_51 = arith.index_cast %get3A_49 : i32 to index
    %get3A_52 = arith.index_cast %get3A_50 : i32 to index
    %get3A_53 = arith.constant 64 : index
    %get3A_54 = tpu.vector_load %arg8[%get3A_51, %get3A_52, %get3A_53] {strides = array<i32>} : memref<2x2x144xi32, #tpu.memory_space<vmem>>, vector<16xi32>,
    tpu.vector_store_idx %arg16[%get3A_54], %broadcast_in_dim3A_10 {add = true} : memref<10112xf32, #tpu.memory_space<vmem>>[vector<16xi32>], vector<16xf32>,
    %get3A_55 = arith.constant 0 : i32
    %get3A_56 = arith.constant 1 : i32
    %get3A_57 = arith.index_cast %get3A_55 : i32 to index
    %get3A_58 = arith.index_cast %get3A_56 : i32 to index
    %get3A_59 = arith.constant 80 : index
    %get3A_60 = tpu.vector_load %arg8[%get3A_57, %get3A_58, %get3A_59] {strides = array<i32>} : memref<2x2x144xi32, #tpu.memory_space<vmem>>, vector<16xi32>,
    tpu.vector_store_idx %arg16[%get3A_60], %broadcast_in_dim3A_10 {add = true} : memref<10112xf32, #tpu.memory_space<vmem>>[vector<16xi32>], vector<16xf32>,
    %get3A_61 = arith.constant 0 : i32
    %get3A_62 = arith.constant 1 : i32
    %get3A_63 = arith.index_cast %get3A_61 : i32 to index
    %get3A_64 = arith.index_cast %get3A_62 : i32 to index
    %get3A_65 = arith.constant 96 : index
    %get3A_66 = tpu.vector_load %arg8[%get3A_63, %get3A_64, %get3A_65] {strides = array<i32>} : memref<2x2x144xi32, #tpu.memory_space<vmem>>, vector<16xi32>,
    tpu.vector_store_idx %arg16[%get3A_66], %broadcast_in_dim3A_10 {add = true} : memref<10112xf32, #tpu.memory_space<vmem>>[vector<16xi32>], vector<16xf32>,
    %get3A_67 = arith.constant 0 : i32
    %get3A_68 = arith.constant 1 : i32
    %get3A_69 = arith.index_cast %get3A_67 : i32 to index
    %get3A_70 = arith.index_cast %get3A_68 : i32 to index
    %get3A_71 = arith.constant 112 : index
    %get3A_72 = tpu.vector_load %arg8[%get3A_69, %get3A_70, %get3A_71] {strides = array<i32>} : memref<2x2x144xi32, #tpu.memory_space<vmem>>, vector<16xi32>,
    tpu.vector_store_idx %arg16[%get3A_72], %broadcast_in_dim3A_10 {add = true} : memref<10112xf32, #tpu.memory_space<vmem>>[vector<16xi32>], vector<16xf32>,
    %get3A_73 = arith.constant 0 : i32
    %get3A_74 = arith.constant 1 : i32
    %get3A_75 = arith.index_cast %get3A_73 : i32 to index
    %get3A_76 = arith.index_cast %get3A_74 : i32 to index
    %get3A_77 = arith.constant 128 : index
    %get3A_78 = tpu.vector_load %arg8[%get3A_75, %get3A_76, %get3A_77] {strides = array<i32>} : memref<2x2x144xi32, #tpu.memory_space<vmem>>, vector<16xi32>,
    tpu.vector_store_idx %arg16[%get3A_78], %broadcast_in_dim3A_10 {add = true} : memref<10112xf32, #tpu.memory_space<vmem>>[vector<16xi32>], vector<16xf32>,
    %dma_start3A_79 = arith.constant 0 : i32
    %dma_start3A_80 = arith.constant 1 : i32
    %dma_start3A_81 = arith.constant 0 : i32
    %dma_start3A_82 = tpu.memref_slice %arg8[%dma_start3A_79, %dma_start3A_80, %dma_start3A_81] : memref<2x2x144xi32, #tpu.memory_space<vmem>> -> memref<1x1x144xi32, #tpu.memory_space<vmem>>
    %dma_start3A_83 = tpu.memref_squeeze %dma_start3A_82 : memref<1x1x144xi32, #tpu.memory_space<vmem>> -> memref<144xi32, #tpu.memory_space<vmem>>
    %dma_start3A_84 = arith.constant 0 : i32
    %dma_start3A_85 = arith.constant 0 : i32
    %dma_start3A_86 = tpu.memref_slice %arg11[%dma_start3A_84, %dma_start3A_85] : memref<10112x128xf32, #tpu.memory_space<vmem_shared>> -> memref<10112x128xf32, #tpu.memory_space<vmem_shared>>
    tpu.enqueue_indirect_dma source(%arg9 : memref<144x128xf32, #tpu.memory_space<vmem>>) target(%dma_start3A_86 : memref<10112x128xf32, #tpu.memory_space<vmem_shared>>) offsets(%dma_start3A_83 : memref<144xi32, #tpu.memory_space<vmem>>) semaphore(%arg14 : memref<!tpu.dma_semaphore, #tpu.memory_space<semaphore_mem>>) {add = true}
    %run_scoped3A_87 = arith.constant 1 : i32
    %run_scoped3A_88 = arith.constant 1 : i32
    "tpu.region"() ({
      %run_scoped3A_199 = tpu.sem_alloc : memref<!tpu.dma_semaphore, #tpu.memory_space<semaphore_mem>>
      %dma_start3A_200 = arith.constant 0 : i32
      %dma_start3A_201 = arith.constant 0 : i32
      %dma_start3A_202 = tpu.memref_slice %arg8[%run_scoped3A_88, %dma_start3A_200, %dma_start3A_201] : memref<2x2x144xi32, #tpu.memory_space<vmem>> -> memref<1x2x144xi32, #tpu.memory_space<vmem>>
      %dma_start3A_203 = tpu.memref_squeeze %dma_start3A_202 : memref<1x2x144xi32, #tpu.memory_space<vmem>> -> memref<2x144xi32, #tpu.memory_space<vmem>>
      %dma_start3A_204 = arith.constant 0 : i32
      %dma_start3A_205 = arith.constant 0 : i32
      %dma_start3A_206 = tpu.memref_slice %arg3[%add3A, %run_scoped3A_87, %dma_start3A_204, %dma_start3A_205] : memref<32x71x2x144xi32, #tpu.memory_space<hbm>> -> memref<1x1x2x144xi32, #tpu.memory_space<hbm>>
      %dma_start3A_207 = tpu.memref_squeeze %dma_start3A_206 : memref<1x1x2x144xi32, #tpu.memory_space<hbm>> -> memref<2x144xi32, #tpu.memory_space<hbm>>
      %dma_start3A_208 = arith.constant 0 : i32
      %dma_start3A_209 = arith.constant 0 : i32
      %dma_start3A_210 = tpu.memref_slice %arg8[%run_scoped3A_88, %dma_start3A_208, %dma_start3A_209] : memref<2x2x144xi32, #tpu.memory_space<vmem>> -> memref<1x2x144xi32, #tpu.memory_space<vmem>>
      %dma_start3A_211 = tpu.memref_squeeze %dma_start3A_210 : memref<1x2x144xi32, #tpu.memory_space<vmem>> -> memref<2x144xi32, #tpu.memory_space<vmem>>
      %dma_start3A_212 = arith.constant 0 : i32
      %dma_start3A_213 = arith.constant 0 : i32
      %dma_start3A_214 = tpu.memref_slice %arg3[%add3A, %run_scoped3A_87, %dma_start3A_212, %dma_start3A_213] : memref<32x71x2x144xi32, #tpu.memory_space<hbm>> -> memref<1x1x2x144xi32, #tpu.memory_space<hbm>>
      %dma_start3A_215 = tpu.memref_squeeze %dma_start3A_214 : memref<1x1x2x144xi32, #tpu.memory_space<hbm>> -> memref<2x144xi32, #tpu.memory_space<hbm>>
      tpu.enqueue_dma source(%dma_start3A_215 : memref<2x144xi32, #tpu.memory_space<hbm>>) target(%dma_start3A_211 : memref<2x144xi32, #tpu.memory_space<vmem>>) target_semaphore(%run_scoped3A_199 : memref<!tpu.dma_semaphore, #tpu.memory_space<semaphore_mem>>)
      %dma_wait3A_216 = arith.constant 0 : i32
      %dma_wait3A_217 = arith.constant 0 : i32
      %dma_wait3A_218 = tpu.memref_slice %arg8[%run_scoped3A_88, %dma_wait3A_216, %dma_wait3A_217] : memref<2x2x144xi32, #tpu.memory_space<vmem>> -> memref<1x2x144xi32, #tpu.memory_space<vmem>>
      %dma_wait3A_219 = tpu.memref_squeeze %dma_wait3A_218 : memref<1x2x144xi32, #tpu.memory_space<vmem>> -> memref<2x144xi32, #tpu.memory_space<vmem>>
      %dma_wait3A_220 = arith.constant 0 : i32
      %dma_wait3A_221 = arith.constant 0 : i32
      %dma_wait3A_222 = tpu.memref_slice %arg3[%add3A, %run_scoped3A_87, %dma_wait3A_220, %dma_wait3A_221] : memref<32x71x2x144xi32, #tpu.memory_space<hbm>> -> memref<1x1x2x144xi32, #tpu.memory_space<hbm>>
      %dma_wait3A_223 = tpu.memref_squeeze %dma_wait3A_222 : memref<1x1x2x144xi32, #tpu.memory_space<hbm>> -> memref<2x144xi32, #tpu.memory_space<hbm>>
      %dma_wait3A_224 = arith.constant 0 : i32
      %dma_wait3A_225 = arith.constant 0 : i32
      %dma_wait3A_226 = tpu.memref_slice %arg8[%run_scoped3A_88, %dma_wait3A_224, %dma_wait3A_225] : memref<2x2x144xi32, #tpu.memory_space<vmem>> -> memref<1x2x144xi32, #tpu.memory_space<vmem>>
      %dma_wait3A_227 = tpu.memref_squeeze %dma_wait3A_226 : memref<1x2x144xi32, #tpu.memory_space<vmem>> -> memref<2x144xi32, #tpu.memory_space<vmem>>
      %dma_wait3A_228 = arith.constant 0 : i32
      %dma_wait3A_229 = arith.constant 0 : i32
      %dma_wait3A_230 = tpu.memref_slice %arg3[%add3A, %run_scoped3A_87, %dma_wait3A_228, %dma_wait3A_229] : memref<32x71x2x144xi32, #tpu.memory_space<hbm>> -> memref<1x1x2x144xi32, #tpu.memory_space<hbm>>
      %dma_wait3A_231 = tpu.memref_squeeze %dma_wait3A_230 : memref<1x1x2x144xi32, #tpu.memory_space<hbm>> -> memref<2x144xi32, #tpu.memory_space<hbm>>
      tpu.wait_dma2 semaphore(%run_scoped3A_199 : memref<!tpu.dma_semaphore, #tpu.memory_space<semaphore_mem>>) src(%dma_wait3A_231 : memref<2x144xi32, #tpu.memory_space<hbm>>) dst(%dma_wait3A_227 : memref<2x144xi32, #tpu.memory_space<vmem>>)
      tpu.yield
    }) : () -> ()
    %dma_start3A_89 = arith.constant 1 : i32
    %dma_start3A_90 = arith.constant 0 : i32
    %dma_start3A_91 = arith.constant 0 : i32
    %dma_start3A_92 = tpu.memref_slice %arg8[%dma_start3A_89, %dma_start3A_90, %dma_start3A_91] : memref<2x2x144xi32, #tpu.memory_space<vmem>> -> memref<1x1x144xi32, #tpu.memory_space<vmem>>
    %dma_start3A_93 = tpu.memref_squeeze %dma_start3A_92 : memref<1x1x144xi32, #tpu.memory_space<vmem>> -> memref<144xi32, #tpu.memory_space<vmem>>
    %dma_start3A_94 = arith.constant 0 : i32
    %dma_start3A_95 = arith.constant 0 : i32
    %dma_start3A_96 = tpu.memref_slice %arg2[%dma_start3A_94, %dma_start3A_95] : memref<10000x128xf32, #tpu.memory_space<hbm>> -> memref<10000x128xf32, #tpu.memory_space<hbm>>
    tpu.enqueue_indirect_dma source(%dma_start3A_96 : memref<10000x128xf32, #tpu.memory_space<hbm>>) target(%arg10 : memref<144x128xf32, #tpu.memory_space<vmem>>) offsets(%dma_start3A_93 : memref<144xi32, #tpu.memory_space<vmem>>) semaphore(%arg13 : memref<!tpu.dma_semaphore, #tpu.memory_space<semaphore_mem>>)
    %scan3A_97 = arith.constant 0 : i32
    %scan3A_98 = arith.constant 0 : i32
    %scan3A_99 = arith.constant 34 : i32
    %scan3A_100 = arith.addi %scan3A_98, %scan3A_99 : i32
    %scan3A_101 = arith.constant 1 : i32
    scf.for %scan3A_199 = %scan3A_98 to %scan3A_100 step %scan3A_101  : i32 {
      %mul3A_200 = arith.constant 2 : i32
      %mul3A_201 = arith.muli %mul3A_200, %scan3A_199 : i32
      %add3A_202 = arith.constant 2 : i32
      %add3A_203 = arith.addi %mul3A_201, %add3A_202 : i32
      %sub3A = arith.constant 1 : i32
      %sub3A_204 = arith.subi %add3A_203, %sub3A : i32
      %dma_wait3A_205 = arith.constant 1 : i32
      %dma_wait3A_206 = arith.constant 0 : i32
      %dma_wait3A_207 = arith.constant 0 : i32
      %dma_wait3A_208 = tpu.memref_slice %arg8[%dma_wait3A_205, %dma_wait3A_206, %dma_wait3A_207] : memref<2x2x144xi32, #tpu.memory_space<vmem>> -> memref<1x1x144xi32, #tpu.memory_space<vmem>>
      %dma_wait3A_209 = tpu.memref_squeeze %dma_wait3A_208 : memref<1x1x144xi32, #tpu.memory_space<vmem>> -> memref<144xi32, #tpu.memory_space<vmem>>
      %dma_wait3A_210 = arith.constant 0 : i32
      %dma_wait3A_211 = arith.constant 0 : i32
      %dma_wait3A_212 = tpu.memref_slice %arg2[%dma_wait3A_210, %dma_wait3A_211] : memref<10000x128xf32, #tpu.memory_space<hbm>> -> memref<10000x128xf32, #tpu.memory_space<hbm>>
      tpu.wait_indirect_dma semaphore(%arg13 : memref<!tpu.dma_semaphore, #tpu.memory_space<semaphore_mem>>) src(%dma_wait3A_212 : memref<10000x128xf32, #tpu.memory_space<hbm>>) dst(%arg10 : memref<144x128xf32, #tpu.memory_space<vmem>>)
      %get3A_213 = arith.constant 1 : i32
      %get3A_214 = arith.constant 1 : i32
      %get3A_215 = arith.index_cast %get3A_213 : i32 to index
      %get3A_216 = arith.index_cast %get3A_214 : i32 to index
      %get3A_217 = arith.constant 0 : index
      %get3A_218 = tpu.vector_load %arg8[%get3A_215, %get3A_216, %get3A_217] {strides = array<i32>} : memref<2x2x144xi32, #tpu.memory_space<vmem>>, vector<16xi32>,
      tpu.vector_store_idx %arg16[%get3A_218], %broadcast_in_dim3A_10 {add = true} : memref<10112xf32, #tpu.memory_space<vmem>>[vector<16xi32>], vector<16xf32>,
      %get3A_219 = arith.constant 1 : i32
      %get3A_220 = arith.constant 1 : i32
      %get3A_221 = arith.index_cast %get3A_219 : i32 to index
      %get3A_222 = arith.index_cast %get3A_220 : i32 to index
      %get3A_223 = arith.constant 16 : index
      %get3A_224 = tpu.vector_load %arg8[%get3A_221, %get3A_222, %get3A_223] {strides = array<i32>} : memref<2x2x144xi32, #tpu.memory_space<vmem>>, vector<16xi32>,
      tpu.vector_store_idx %arg16[%get3A_224], %broadcast_in_dim3A_10 {add = true} : memref<10112xf32, #tpu.memory_space<vmem>>[vector<16xi32>], vector<16xf32>,
      %get3A_225 = arith.constant 1 : i32
      %get3A_226 = arith.constant 1 : i32
      %get3A_227 = arith.index_cast %get3A_225 : i32 to index
      %get3A_228 = arith.index_cast %get3A_226 : i32 to index
      %get3A_229 = arith.constant 32 : index
      %get3A_230 = tpu.vector_load %arg8[%get3A_227, %get3A_228, %get3A_229] {strides = array<i32>} : memref<2x2x144xi32, #tpu.memory_space<vmem>>, vector<16xi32>,
      tpu.vector_store_idx %arg16[%get3A_230], %broadcast_in_dim3A_10 {add = true} : memref<10112xf32, #tpu.memory_space<vmem>>[vector<16xi32>], vector<16xf32>,
      %get3A_231 = arith.constant 1 : i32
      %get3A_232 = arith.constant 1 : i32
      %get3A_233 = arith.index_cast %get3A_231 : i32 to index
      %get3A_234 = arith.index_cast %get3A_232 : i32 to index
      %get3A_235 = arith.constant 48 : index
      %get3A_236 = tpu.vector_load %arg8[%get3A_233, %get3A_234, %get3A_235] {strides = array<i32>} : memref<2x2x144xi32, #tpu.memory_space<vmem>>, vector<16xi32>,
      tpu.vector_store_idx %arg16[%get3A_236], %broadcast_in_dim3A_10 {add = true} : memref<10112xf32, #tpu.memory_space<vmem>>[vector<16xi32>], vector<16xf32>,
      %get3A_237 = arith.constant 1 : i32
      %get3A_238 = arith.constant 1 : i32
      %get3A_239 = arith.index_cast %get3A_237 : i32 to index
      %get3A_240 = arith.index_cast %get3A_238 : i32 to index
      %get3A_241 = arith.constant 64 : index
      %get3A_242 = tpu.vector_load %arg8[%get3A_239, %get3A_240, %get3A_241] {strides = array<i32>} : memref<2x2x144xi32, #tpu.memory_space<vmem>>, vector<16xi32>,
      tpu.vector_store_idx %arg16[%get3A_242], %broadcast_in_dim3A_10 {add = true} : memref<10112xf32, #tpu.memory_space<vmem>>[vector<16xi32>], vector<16xf32>,
      %get3A_243 = arith.constant 1 : i32
      %get3A_244 = arith.constant 1 : i32
      %get3A_245 = arith.index_cast %get3A_243 : i32 to index
      %get3A_246 = arith.index_cast %get3A_244 : i32 to index
      %get3A_247 = arith.constant 80 : index
      %get3A_248 = tpu.vector_load %arg8[%get3A_245, %get3A_246, %get3A_247] {strides = array<i32>} : memref<2x2x144xi32, #tpu.memory_space<vmem>>, vector<16xi32>,
      tpu.vector_store_idx %arg16[%get3A_248], %broadcast_in_dim3A_10 {add = true} : memref<10112xf32, #tpu.memory_space<vmem>>[vector<16xi32>], vector<16xf32>,
      %get3A_249 = arith.constant 1 : i32
      %get3A_250 = arith.constant 1 : i32
      %get3A_251 = arith.index_cast %get3A_249 : i32 to index
      %get3A_252 = arith.index_cast %get3A_250 : i32 to index
      %get3A_253 = arith.constant 96 : index
      %get3A_254 = tpu.vector_load %arg8[%get3A_251, %get3A_252, %get3A_253] {strides = array<i32>} : memref<2x2x144xi32, #tpu.memory_space<vmem>>, vector<16xi32>,
      tpu.vector_store_idx %arg16[%get3A_254], %broadcast_in_dim3A_10 {add = true} : memref<10112xf32, #tpu.memory_space<vmem>>[vector<16xi32>], vector<16xf32>,
      %get3A_255 = arith.constant 1 : i32
      %get3A_256 = arith.constant 1 : i32
      %get3A_257 = arith.index_cast %get3A_255 : i32 to index
      %get3A_258 = arith.index_cast %get3A_256 : i32 to index
      %get3A_259 = arith.constant 112 : index
      %get3A_260 = tpu.vector_load %arg8[%get3A_257, %get3A_258, %get3A_259] {strides = array<i32>} : memref<2x2x144xi32, #tpu.memory_space<vmem>>, vector<16xi32>,
      tpu.vector_store_idx %arg16[%get3A_260], %broadcast_in_dim3A_10 {add = true} : memref<10112xf32, #tpu.memory_space<vmem>>[vector<16xi32>], vector<16xf32>,
      %get3A_261 = arith.constant 1 : i32
      %get3A_262 = arith.constant 1 : i32
      %get3A_263 = arith.index_cast %get3A_261 : i32 to index
      %get3A_264 = arith.index_cast %get3A_262 : i32 to index
      %get3A_265 = arith.constant 128 : index
      %get3A_266 = tpu.vector_load %arg8[%get3A_263, %get3A_264, %get3A_265] {strides = array<i32>} : memref<2x2x144xi32, #tpu.memory_space<vmem>>, vector<16xi32>,
      tpu.vector_store_idx %arg16[%get3A_266], %broadcast_in_dim3A_10 {add = true} : memref<10112xf32, #tpu.memory_space<vmem>>[vector<16xi32>], vector<16xf32>,
      %dma_start3A_267 = arith.constant 1 : i32
      %dma_start3A_268 = arith.constant 1 : i32
      %dma_start3A_269 = arith.constant 0 : i32
      %dma_start3A_270 = tpu.memref_slice %arg8[%dma_start3A_267, %dma_start3A_268, %dma_start3A_269] : memref<2x2x144xi32, #tpu.memory_space<vmem>> -> memref<1x1x144xi32, #tpu.memory_space<vmem>>
      %dma_start3A_271 = tpu.memref_squeeze %dma_start3A_270 : memref<1x1x144xi32, #tpu.memory_space<vmem>> -> memref<144xi32, #tpu.memory_space<vmem>>
      %dma_start3A_272 = arith.constant 0 : i32
      %dma_start3A_273 = arith.constant 0 : i32
      %dma_start3A_274 = tpu.memref_slice %arg11[%dma_start3A_272, %dma_start3A_273] : memref<10112x128xf32, #tpu.memory_space<vmem_shared>> -> memref<10112x128xf32, #tpu.memory_space<vmem_shared>>
      tpu.enqueue_indirect_dma source(%arg10 : memref<144x128xf32, #tpu.memory_space<vmem>>) target(%dma_start3A_274 : memref<10112x128xf32, #tpu.memory_space<vmem_shared>>) offsets(%dma_start3A_271 : memref<144xi32, #tpu.memory_space<vmem>>) semaphore(%arg15 : memref<!tpu.dma_semaphore, #tpu.memory_space<semaphore_mem>>) {add = true}
      %dma_wait3A_275 = arith.constant 0 : i32
      %dma_wait3A_276 = arith.constant 1 : i32
      %dma_wait3A_277 = arith.constant 0 : i32
      %dma_wait3A_278 = tpu.memref_slice %arg8[%dma_wait3A_275, %dma_wait3A_276, %dma_wait3A_277] : memref<2x2x144xi32, #tpu.memory_space<vmem>> -> memref<1x1x144xi32, #tpu.memory_space<vmem>>
      %dma_wait3A_279 = tpu.memref_squeeze %dma_wait3A_278 : memref<1x1x144xi32, #tpu.memory_space<vmem>> -> memref<144xi32, #tpu.memory_space<vmem>>
      %dma_wait3A_280 = arith.constant 0 : i32
      %dma_wait3A_281 = arith.constant 0 : i32
      %dma_wait3A_282 = tpu.memref_slice %arg11[%dma_wait3A_280, %dma_wait3A_281] : memref<10112x128xf32, #tpu.memory_space<vmem_shared>> -> memref<10112x128xf32, #tpu.memory_space<vmem_shared>>
      tpu.wait_indirect_dma semaphore(%arg14 : memref<!tpu.dma_semaphore, #tpu.memory_space<semaphore_mem>>) src(%arg9 : memref<144x128xf32, #tpu.memory_space<vmem>>) dst(%dma_wait3A_282 : memref<10112x128xf32, #tpu.memory_space<vmem_shared>>)
      %add3A_283 = arith.constant 1 : i32
      %add3A_284 = arith.addi %sub3A_204, %add3A_283 : i32
      %run_scoped3A_285 = arith.constant 0 : i32
      "tpu.region"() ({
        %run_scoped3A_389 = tpu.sem_alloc : memref<!tpu.dma_semaphore, #tpu.memory_space<semaphore_mem>>
        %dma_start3A_390 = arith.constant 0 : i32
        %dma_start3A_391 = arith.constant 0 : i32
        %dma_start3A_392 = tpu.memref_slice %arg8[%run_scoped3A_285, %dma_start3A_390, %dma_start3A_391] : memref<2x2x144xi32, #tpu.memory_space<vmem>> -> memref<1x2x144xi32, #tpu.memory_space<vmem>>
        %dma_start3A_393 = tpu.memref_squeeze %dma_start3A_392 : memref<1x2x144xi32, #tpu.memory_space<vmem>> -> memref<2x144xi32, #tpu.memory_space<vmem>>
        %dma_start3A_394 = arith.constant 0 : i32
        %dma_start3A_395 = arith.constant 0 : i32
        %dma_start3A_396 = tpu.memref_slice %arg3[%add3A, %add3A_284, %dma_start3A_394, %dma_start3A_395] : memref<32x71x2x144xi32, #tpu.memory_space<hbm>> -> memref<1x1x2x144xi32, #tpu.memory_space<hbm>>
        %dma_start3A_397 = tpu.memref_squeeze %dma_start3A_396 : memref<1x1x2x144xi32, #tpu.memory_space<hbm>> -> memref<2x144xi32, #tpu.memory_space<hbm>>
        %dma_start3A_398 = arith.constant 0 : i32
        %dma_start3A_399 = arith.constant 0 : i32
        %dma_start3A_400 = tpu.memref_slice %arg8[%run_scoped3A_285, %dma_start3A_398, %dma_start3A_399] : memref<2x2x144xi32, #tpu.memory_space<vmem>> -> memref<1x2x144xi32, #tpu.memory_space<vmem>>
        %dma_start3A_401 = tpu.memref_squeeze %dma_start3A_400 : memref<1x2x144xi32, #tpu.memory_space<vmem>> -> memref<2x144xi32, #tpu.memory_space<vmem>>
        %dma_start3A_402 = arith.constant 0 : i32
        %dma_start3A_403 = arith.constant 0 : i32
        %dma_start3A_404 = tpu.memref_slice %arg3[%add3A, %add3A_284, %dma_start3A_402, %dma_start3A_403] : memref<32x71x2x144xi32, #tpu.memory_space<hbm>> -> memref<1x1x2x144xi32, #tpu.memory_space<hbm>>
        %dma_start3A_405 = tpu.memref_squeeze %dma_start3A_404 : memref<1x1x2x144xi32, #tpu.memory_space<hbm>> -> memref<2x144xi32, #tpu.memory_space<hbm>>
        tpu.enqueue_dma source(%dma_start3A_405 : memref<2x144xi32, #tpu.memory_space<hbm>>) target(%dma_start3A_401 : memref<2x144xi32, #tpu.memory_space<vmem>>) target_semaphore(%run_scoped3A_389 : memref<!tpu.dma_semaphore, #tpu.memory_space<semaphore_mem>>)
        %dma_wait3A_406 = arith.constant 0 : i32
        %dma_wait3A_407 = arith.constant 0 : i32
        %dma_wait3A_408 = tpu.memref_slice %arg8[%run_scoped3A_285, %dma_wait3A_406, %dma_wait3A_407] : memref<2x2x144xi32, #tpu.memory_space<vmem>> -> memref<1x2x144xi32, #tpu.memory_space<vmem>>
        %dma_wait3A_409 = tpu.memref_squeeze %dma_wait3A_408 : memref<1x2x144xi32, #tpu.memory_space<vmem>> -> memref<2x144xi32, #tpu.memory_space<vmem>>
        %dma_wait3A_410 = arith.constant 0 : i32
        %dma_wait3A_411 = arith.constant 0 : i32
        %dma_wait3A_412 = tpu.memref_slice %arg3[%add3A, %add3A_284, %dma_wait3A_410, %dma_wait3A_411] : memref<32x71x2x144xi32, #tpu.memory_space<hbm>> -> memref<1x1x2x144xi32, #tpu.memory_space<hbm>>
        %dma_wait3A_413 = tpu.memref_squeeze %dma_wait3A_412 : memref<1x1x2x144xi32, #tpu.memory_space<hbm>> -> memref<2x144xi32, #tpu.memory_space<hbm>>
        %dma_wait3A_414 = arith.constant 0 : i32
        %dma_wait3A_415 = arith.constant 0 : i32
        %dma_wait3A_416 = tpu.memref_slice %arg8[%run_scoped3A_285, %dma_wait3A_414, %dma_wait3A_415] : memref<2x2x144xi32, #tpu.memory_space<vmem>> -> memref<1x2x144xi32, #tpu.memory_space<vmem>>
        %dma_wait3A_417 = tpu.memref_squeeze %dma_wait3A_416 : memref<1x2x144xi32, #tpu.memory_space<vmem>> -> memref<2x144xi32, #tpu.memory_space<vmem>>
        %dma_wait3A_418 = arith.constant 0 : i32
        %dma_wait3A_419 = arith.constant 0 : i32
        %dma_wait3A_420 = tpu.memref_slice %arg3[%add3A, %add3A_284, %dma_wait3A_418, %dma_wait3A_419] : memref<32x71x2x144xi32, #tpu.memory_space<hbm>> -> memref<1x1x2x144xi32, #tpu.memory_space<hbm>>
        %dma_wait3A_421 = tpu.memref_squeeze %dma_wait3A_420 : memref<1x1x2x144xi32, #tpu.memory_space<hbm>> -> memref<2x144xi32, #tpu.memory_space<hbm>>
        tpu.wait_dma2 semaphore(%run_scoped3A_389 : memref<!tpu.dma_semaphore, #tpu.memory_space<semaphore_mem>>) src(%dma_wait3A_421 : memref<2x144xi32, #tpu.memory_space<hbm>>) dst(%dma_wait3A_417 : memref<2x144xi32, #tpu.memory_space<vmem>>)
        tpu.yield
      }) : () -> ()
      %dma_start3A_286 = arith.constant 0 : i32
      %dma_start3A_287 = arith.constant 0 : i32
      %dma_start3A_288 = arith.constant 0 : i32
      %dma_start3A_289 = tpu.memref_slice %arg8[%dma_start3A_286, %dma_start3A_287, %dma_start3A_288] : memref<2x2x144xi32, #tpu.memory_space<vmem>> -> memref<1x1x144xi32, #tpu.memory_space<vmem>>
      %dma_start3A_290 = tpu.memref_squeeze %dma_start3A_289 : memref<1x1x144xi32, #tpu.memory_space<vmem>> -> memref<144xi32, #tpu.memory_space<vmem>>
      %dma_start3A_291 = arith.constant 0 : i32
      %dma_start3A_292 = arith.constant 0 : i32
      %dma_start3A_293 = tpu.memref_slice %arg2[%dma_start3A_291, %dma_start3A_292] : memref<10000x128xf32, #tpu.memory_space<hbm>> -> memref<10000x128xf32, #tpu.memory_space<hbm>>
      tpu.enqueue_indirect_dma source(%dma_start3A_293 : memref<10000x128xf32, #tpu.memory_space<hbm>>) target(%arg9 : memref<144x128xf32, #tpu.memory_space<vmem>>) offsets(%dma_start3A_290 : memref<144xi32, #tpu.memory_space<vmem>>) semaphore(%arg12 : memref<!tpu.dma_semaphore, #tpu.memory_space<semaphore_mem>>)
      %mul3A_294 = arith.constant 2 : i32
      %mul3A_295 = arith.muli %mul3A_294, %scan3A_199 : i32
      %add3A_296 = arith.constant 2 : i32
      %add3A_297 = arith.addi %mul3A_295, %add3A_296 : i32
      %sub3A_298 = arith.constant 0 : i32
      %sub3A_299 = arith.subi %add3A_297, %sub3A_298 : i32
      %dma_wait3A_300 = arith.constant 0 : i32
      %dma_wait3A_301 = arith.constant 0 : i32
      %dma_wait3A_302 = arith.constant 0 : i32
      %dma_wait3A_303 = tpu.memref_slice %arg8[%dma_wait3A_300, %dma_wait3A_301, %dma_wait3A_302] : memref<2x2x144xi32, #tpu.memory_space<vmem>> -> memref<1x1x144xi32, #tpu.memory_space<vmem>>
      %dma_wait3A_304 = tpu.memref_squeeze %dma_wait3A_303 : memref<1x1x144xi32, #tpu.memory_space<vmem>> -> memref<144xi32, #tpu.memory_space<vmem>>
      %dma_wait3A_305 = arith.constant 0 : i32
      %dma_wait3A_306 = arith.constant 0 : i32
      %dma_wait3A_307 = tpu.memref_slice %arg2[%dma_wait3A_305, %dma_wait3A_306] : memref<10000x128xf32, #tpu.memory_space<hbm>> -> memref<10000x128xf32, #tpu.memory_space<hbm>>
      tpu.wait_indirect_dma semaphore(%arg12 : memref<!tpu.dma_semaphore, #tpu.memory_space<semaphore_mem>>) src(%dma_wait3A_307 : memref<10000x128xf32, #tpu.memory_space<hbm>>) dst(%arg9 : memref<144x128xf32, #tpu.memory_space<vmem>>)
      %get3A_308 = arith.constant 0 : i32
      %get3A_309 = arith.constant 1 : i32
      %get3A_310 = arith.index_cast %get3A_308 : i32 to index
      %get3A_311 = arith.index_cast %get3A_309 : i32 to index
      %get3A_312 = arith.constant 0 : index
      %get3A_313 = tpu.vector_load %arg8[%get3A_310, %get3A_311, %get3A_312] {strides = array<i32>} : memref<2x2x144xi32, #tpu.memory_space<vmem>>, vector<16xi32>,
      tpu.vector_store_idx %arg16[%get3A_313], %broadcast_in_dim3A_10 {add = true} : memref<10112xf32, #tpu.memory_space<vmem>>[vector<16xi32>], vector<16xf32>,
      %get3A_314 = arith.constant 0 : i32
      %get3A_315 = arith.constant 1 : i32
      %get3A_316 = arith.index_cast %get3A_314 : i32 to index
      %get3A_317 = arith.index_cast %get3A_315 : i32 to index
      %get3A_318 = arith.constant 16 : index
      %get3A_319 = tpu.vector_load %arg8[%get3A_316, %get3A_317, %get3A_318] {strides = array<i32>} : memref<2x2x144xi32, #tpu.memory_space<vmem>>, vector<16xi32>,
      tpu.vector_store_idx %arg16[%get3A_319], %broadcast_in_dim3A_10 {add = true} : memref<10112xf32, #tpu.memory_space<vmem>>[vector<16xi32>], vector<16xf32>,
      %get3A_320 = arith.constant 0 : i32
      %get3A_321 = arith.constant 1 : i32
      %get3A_322 = arith.index_cast %get3A_320 : i32 to index
      %get3A_323 = arith.index_cast %get3A_321 : i32 to index
      %get3A_324 = arith.constant 32 : index
      %get3A_325 = tpu.vector_load %arg8[%get3A_322, %get3A_323, %get3A_324] {strides = array<i32>} : memref<2x2x144xi32, #tpu.memory_space<vmem>>, vector<16xi32>,
      tpu.vector_store_idx %arg16[%get3A_325], %broadcast_in_dim3A_10 {add = true} : memref<10112xf32, #tpu.memory_space<vmem>>[vector<16xi32>], vector<16xf32>,
      %get3A_326 = arith.constant 0 : i32
      %get3A_327 = arith.constant 1 : i32
      %get3A_328 = arith.index_cast %get3A_326 : i32 to index
      %get3A_329 = arith.index_cast %get3A_327 : i32 to index
      %get3A_330 = arith.constant 48 : index
      %get3A_331 = tpu.vector_load %arg8[%get3A_328, %get3A_329, %get3A_330] {strides = array<i32>} : memref<2x2x144xi32, #tpu.memory_space<vmem>>, vector<16xi32>,
      tpu.vector_store_idx %arg16[%get3A_331], %broadcast_in_dim3A_10 {add = true} : memref<10112xf32, #tpu.memory_space<vmem>>[vector<16xi32>], vector<16xf32>,
      %get3A_332 = arith.constant 0 : i32
      %get3A_333 = arith.constant 1 : i32
      %get3A_334 = arith.index_cast %get3A_332 : i32 to index
      %get3A_335 = arith.index_cast %get3A_333 : i32 to index
      %get3A_336 = arith.constant 64 : index
      %get3A_337 = tpu.vector_load %arg8[%get3A_334, %get3A_335, %get3A_336] {strides = array<i32>} : memref<2x2x144xi32, #tpu.memory_space<vmem>>, vector<16xi32>,
      tpu.vector_store_idx %arg16[%get3A_337], %broadcast_in_dim3A_10 {add = true} : memref<10112xf32, #tpu.memory_space<vmem>>[vector<16xi32>], vector<16xf32>,
      %get3A_338 = arith.constant 0 : i32
      %get3A_339 = arith.constant 1 : i32
      %get3A_340 = arith.index_cast %get3A_338 : i32 to index
      %get3A_341 = arith.index_cast %get3A_339 : i32 to index
      %get3A_342 = arith.constant 80 : index
      %get3A_343 = tpu.vector_load %arg8[%get3A_340, %get3A_341, %get3A_342] {strides = array<i32>} : memref<2x2x144xi32, #tpu.memory_space<vmem>>, vector<16xi32>,
      tpu.vector_store_idx %arg16[%get3A_343], %broadcast_in_dim3A_10 {add = true} : memref<10112xf32, #tpu.memory_space<vmem>>[vector<16xi32>], vector<16xf32>,
      %get3A_344 = arith.constant 0 : i32
      %get3A_345 = arith.constant 1 : i32
      %get3A_346 = arith.index_cast %get3A_344 : i32 to index
      %get3A_347 = arith.index_cast %get3A_345 : i32 to index
      %get3A_348 = arith.constant 96 : index
      %get3A_349 = tpu.vector_load %arg8[%get3A_346, %get3A_347, %get3A_348] {strides = array<i32>} : memref<2x2x144xi32, #tpu.memory_space<vmem>>, vector<16xi32>,
      tpu.vector_store_idx %arg16[%get3A_349], %broadcast_in_dim3A_10 {add = true} : memref<10112xf32, #tpu.memory_space<vmem>>[vector<16xi32>], vector<16xf32>,
      %get3A_350 = arith.constant 0 : i32
      %get3A_351 = arith.constant 1 : i32
      %get3A_352 = arith.index_cast %get3A_350 : i32 to index
      %get3A_353 = arith.index_cast %get3A_351 : i32 to index
      %get3A_354 = arith.constant 112 : index
      %get3A_355 = tpu.vector_load %arg8[%get3A_352, %get3A_353, %get3A_354] {strides = array<i32>} : memref<2x2x144xi32, #tpu.memory_space<vmem>>, vector<16xi32>,
      tpu.vector_store_idx %arg16[%get3A_355], %broadcast_in_dim3A_10 {add = true} : memref<10112xf32, #tpu.memory_space<vmem>>[vector<16xi32>], vector<16xf32>,
      %get3A_356 = arith.constant 0 : i32
      %get3A_357 = arith.constant 1 : i32
      %get3A_358 = arith.index_cast %get3A_356 : i32 to index
      %get3A_359 = arith.index_cast %get3A_357 : i32 to index
      %get3A_360 = arith.constant 128 : index
      %get3A_361 = tpu.vector_load %arg8[%get3A_358, %get3A_359, %get3A_360] {strides = array<i32>} : memref<2x2x144xi32, #tpu.memory_space<vmem>>, vector<16xi32>,
      tpu.vector_store_idx %arg16[%get3A_361], %broadcast_in_dim3A_10 {add = true} : memref<10112xf32, #tpu.memory_space<vmem>>[vector<16xi32>], vector<16xf32>,
      %dma_start3A_362 = arith.constant 0 : i32
      %dma_start3A_363 = arith.constant 1 : i32
      %dma_start3A_364 = arith.constant 0 : i32
      %dma_start3A_365 = tpu.memref_slice %arg8[%dma_start3A_362, %dma_start3A_363, %dma_start3A_364] : memref<2x2x144xi32, #tpu.memory_space<vmem>> -> memref<1x1x144xi32, #tpu.memory_space<vmem>>
      %dma_start3A_366 = tpu.memref_squeeze %dma_start3A_365 : memref<1x1x144xi32, #tpu.memory_space<vmem>> -> memref<144xi32, #tpu.memory_space<vmem>>
      %dma_start3A_367 = arith.constant 0 : i32
      %dma_start3A_368 = arith.constant 0 : i32
      %dma_start3A_369 = tpu.memref_slice %arg11[%dma_start3A_367, %dma_start3A_368] : memref<10112x128xf32, #tpu.memory_space<vmem_shared>> -> memref<10112x128xf32, #tpu.memory_space<vmem_shared>>
      tpu.enqueue_indirect_dma source(%arg9 : memref<144x128xf32, #tpu.memory_space<vmem>>) target(%dma_start3A_369 : memref<10112x128xf32, #tpu.memory_space<vmem_shared>>) offsets(%dma_start3A_366 : memref<144xi32, #tpu.memory_space<vmem>>) semaphore(%arg14 : memref<!tpu.dma_semaphore, #tpu.memory_space<semaphore_mem>>) {add = true}
      %dma_wait3A_370 = arith.constant 1 : i32
      %dma_wait3A_371 = arith.constant 1 : i32
      %dma_wait3A_372 = arith.constant 0 : i32
      %dma_wait3A_373 = tpu.memref_slice %arg8[%dma_wait3A_370, %dma_wait3A_371, %dma_wait3A_372] : memref<2x2x144xi32, #tpu.memory_space<vmem>> -> memref<1x1x144xi32, #tpu.memory_space<vmem>>
      %dma_wait3A_374 = tpu.memref_squeeze %dma_wait3A_373 : memref<1x1x144xi32, #tpu.memory_space<vmem>> -> memref<144xi32, #tpu.memory_space<vmem>>
      %dma_wait3A_375 = arith.constant 0 : i32
      %dma_wait3A_376 = arith.constant 0 : i32
      %dma_wait3A_377 = tpu.memref_slice %arg11[%dma_wait3A_375, %dma_wait3A_376] : memref<10112x128xf32, #tpu.memory_space<vmem_shared>> -> memref<10112x128xf32, #tpu.memory_space<vmem_shared>>
      tpu.wait_indirect_dma semaphore(%arg15 : memref<!tpu.dma_semaphore, #tpu.memory_space<semaphore_mem>>) src(%arg10 : memref<144x128xf32, #tpu.memory_space<vmem>>) dst(%dma_wait3A_377 : memref<10112x128xf32, #tpu.memory_space<vmem_shared>>)
      %add3A_378 = arith.constant 1 : i32
      %add3A_379 = arith.addi %sub3A_299, %add3A_378 : i32
      %run_scoped3A_380 = arith.constant 1 : i32
      "tpu.region"() ({
        %run_scoped3A_389 = tpu.sem_alloc : memref<!tpu.dma_semaphore, #tpu.memory_space<semaphore_mem>>
        %dma_start3A_390 = arith.constant 0 : i32
        %dma_start3A_391 = arith.constant 0 : i32
        %dma_start3A_392 = tpu.memref_slice %arg8[%run_scoped3A_380, %dma_start3A_390, %dma_start3A_391] : memref<2x2x144xi32, #tpu.memory_space<vmem>> -> memref<1x2x144xi32, #tpu.memory_space<vmem>>
        %dma_start3A_393 = tpu.memref_squeeze %dma_start3A_392 : memref<1x2x144xi32, #tpu.memory_space<vmem>> -> memref<2x144xi32, #tpu.memory_space<vmem>>
        %dma_start3A_394 = arith.constant 0 : i32
        %dma_start3A_395 = arith.constant 0 : i32
        %dma_start3A_396 = tpu.memref_slice %arg3[%add3A, %add3A_379, %dma_start3A_394, %dma_start3A_395] : memref<32x71x2x144xi32, #tpu.memory_space<hbm>> -> memref<1x1x2x144xi32, #tpu.memory_space<hbm>>
        %dma_start3A_397 = tpu.memref_squeeze %dma_start3A_396 : memref<1x1x2x144xi32, #tpu.memory_space<hbm>> -> memref<2x144xi32, #tpu.memory_space<hbm>>
        %dma_start3A_398 = arith.constant 0 : i32
        %dma_start3A_399 = arith.constant 0 : i32
        %dma_start3A_400 = tpu.memref_slice %arg8[%run_scoped3A_380, %dma_start3A_398, %dma_start3A_399] : memref<2x2x144xi32, #tpu.memory_space<vmem>> -> memref<1x2x144xi32, #tpu.memory_space<vmem>>
        %dma_start3A_401 = tpu.memref_squeeze %dma_start3A_400 : memref<1x2x144xi32, #tpu.memory_space<vmem>> -> memref<2x144xi32, #tpu.memory_space<vmem>>
        %dma_start3A_402 = arith.constant 0 : i32
        %dma_start3A_403 = arith.constant 0 : i32
        %dma_start3A_404 = tpu.memref_slice %arg3[%add3A, %add3A_379, %dma_start3A_402, %dma_start3A_403] : memref<32x71x2x144xi32, #tpu.memory_space<hbm>> -> memref<1x1x2x144xi32, #tpu.memory_space<hbm>>
        %dma_start3A_405 = tpu.memref_squeeze %dma_start3A_404 : memref<1x1x2x144xi32, #tpu.memory_space<hbm>> -> memref<2x144xi32, #tpu.memory_space<hbm>>
        tpu.enqueue_dma source(%dma_start3A_405 : memref<2x144xi32, #tpu.memory_space<hbm>>) target(%dma_start3A_401 : memref<2x144xi32, #tpu.memory_space<vmem>>) target_semaphore(%run_scoped3A_389 : memref<!tpu.dma_semaphore, #tpu.memory_space<semaphore_mem>>)
        %dma_wait3A_406 = arith.constant 0 : i32
        %dma_wait3A_407 = arith.constant 0 : i32
        %dma_wait3A_408 = tpu.memref_slice %arg8[%run_scoped3A_380, %dma_wait3A_406, %dma_wait3A_407] : memref<2x2x144xi32, #tpu.memory_space<vmem>> -> memref<1x2x144xi32, #tpu.memory_space<vmem>>
        %dma_wait3A_409 = tpu.memref_squeeze %dma_wait3A_408 : memref<1x2x144xi32, #tpu.memory_space<vmem>> -> memref<2x144xi32, #tpu.memory_space<vmem>>
        %dma_wait3A_410 = arith.constant 0 : i32
        %dma_wait3A_411 = arith.constant 0 : i32
        %dma_wait3A_412 = tpu.memref_slice %arg3[%add3A, %add3A_379, %dma_wait3A_410, %dma_wait3A_411] : memref<32x71x2x144xi32, #tpu.memory_space<hbm>> -> memref<1x1x2x144xi32, #tpu.memory_space<hbm>>
        %dma_wait3A_413 = tpu.memref_squeeze %dma_wait3A_412 : memref<1x1x2x144xi32, #tpu.memory_space<hbm>> -> memref<2x144xi32, #tpu.memory_space<hbm>>
        %dma_wait3A_414 = arith.constant 0 : i32
        %dma_wait3A_415 = arith.constant 0 : i32
        %dma_wait3A_416 = tpu.memref_slice %arg8[%run_scoped3A_380, %dma_wait3A_414, %dma_wait3A_415] : memref<2x2x144xi32, #tpu.memory_space<vmem>> -> memref<1x2x144xi32, #tpu.memory_space<vmem>>
        %dma_wait3A_417 = tpu.memref_squeeze %dma_wait3A_416 : memref<1x2x144xi32, #tpu.memory_space<vmem>> -> memref<2x144xi32, #tpu.memory_space<vmem>>
        %dma_wait3A_418 = arith.constant 0 : i32
        %dma_wait3A_419 = arith.constant 0 : i32
        %dma_wait3A_420 = tpu.memref_slice %arg3[%add3A, %add3A_379, %dma_wait3A_418, %dma_wait3A_419] : memref<32x71x2x144xi32, #tpu.memory_space<hbm>> -> memref<1x1x2x144xi32, #tpu.memory_space<hbm>>
        %dma_wait3A_421 = tpu.memref_squeeze %dma_wait3A_420 : memref<1x1x2x144xi32, #tpu.memory_space<hbm>> -> memref<2x144xi32, #tpu.memory_space<hbm>>
        tpu.wait_dma2 semaphore(%run_scoped3A_389 : memref<!tpu.dma_semaphore, #tpu.memory_space<semaphore_mem>>) src(%dma_wait3A_421 : memref<2x144xi32, #tpu.memory_space<hbm>>) dst(%dma_wait3A_417 : memref<2x144xi32, #tpu.memory_space<vmem>>)
        tpu.yield
      }) : () -> ()
      %dma_start3A_381 = arith.constant 1 : i32
      %dma_start3A_382 = arith.constant 0 : i32
      %dma_start3A_383 = arith.constant 0 : i32
      %dma_start3A_384 = tpu.memref_slice %arg8[%dma_start3A_381, %dma_start3A_382, %dma_start3A_383] : memref<2x2x144xi32, #tpu.memory_space<vmem>> -> memref<1x1x144xi32, #tpu.memory_space<vmem>>
      %dma_start3A_385 = tpu.memref_squeeze %dma_start3A_384 : memref<1x1x144xi32, #tpu.memory_space<vmem>> -> memref<144xi32, #tpu.memory_space<vmem>>
      %dma_start3A_386 = arith.constant 0 : i32
      %dma_start3A_387 = arith.constant 0 : i32
      %dma_start3A_388 = tpu.memref_slice %arg2[%dma_start3A_386, %dma_start3A_387] : memref<10000x128xf32, #tpu.memory_space<hbm>> -> memref<10000x128xf32, #tpu.memory_space<hbm>>
      tpu.enqueue_indirect_dma source(%dma_start3A_388 : memref<10000x128xf32, #tpu.memory_space<hbm>>) target(%arg10 : memref<144x128xf32, #tpu.memory_space<vmem>>) offsets(%dma_start3A_385 : memref<144xi32, #tpu.memory_space<vmem>>) semaphore(%arg13 : memref<!tpu.dma_semaphore, #tpu.memory_space<semaphore_mem>>)
    }
    %scan3A_102 = arith.constant 34 : i32
    %dma_wait3A_103 = arith.constant 1 : i32
    %dma_wait3A_104 = arith.constant 0 : i32
    %dma_wait3A_105 = arith.constant 0 : i32
    %dma_wait3A_106 = tpu.memref_slice %arg8[%dma_wait3A_103, %dma_wait3A_104, %dma_wait3A_105] : memref<2x2x144xi32, #tpu.memory_space<vmem>> -> memref<1x1x144xi32, #tpu.memory_space<vmem>>
    %dma_wait3A_107 = tpu.memref_squeeze %dma_wait3A_106 : memref<1x1x144xi32, #tpu.memory_space<vmem>> -> memref<144xi32, #tpu.memory_space<vmem>>
    %dma_wait3A_108 = arith.constant 0 : i32
    %dma_wait3A_109 = arith.constant 0 : i32
    %dma_wait3A_110 = tpu.memref_slice %arg2[%dma_wait3A_108, %dma_wait3A_109] : memref<10000x128xf32, #tpu.memory_space<hbm>> -> memref<10000x128xf32, #tpu.memory_space<hbm>>
    tpu.wait_indirect_dma semaphore(%arg13 : memref<!tpu.dma_semaphore, #tpu.memory_space<semaphore_mem>>) src(%dma_wait3A_110 : memref<10000x128xf32, #tpu.memory_space<hbm>>) dst(%arg10 : memref<144x128xf32, #tpu.memory_space<vmem>>)
    %get3A_111 = arith.constant 1 : i32
    %get3A_112 = arith.constant 1 : i32
    %get3A_113 = arith.index_cast %get3A_111 : i32 to index
    %get3A_114 = arith.index_cast %get3A_112 : i32 to index
    %get3A_115 = arith.constant 0 : index
    %get3A_116 = tpu.vector_load %arg8[%get3A_113, %get3A_114, %get3A_115] {strides = array<i32>} : memref<2x2x144xi32, #tpu.memory_space<vmem>>, vector<16xi32>,
    tpu.vector_store_idx %arg16[%get3A_116], %broadcast_in_dim3A_10 {add = true} : memref<10112xf32, #tpu.memory_space<vmem>>[vector<16xi32>], vector<16xf32>,
    %get3A_117 = arith.constant 1 : i32
    %get3A_118 = arith.constant 1 : i32
    %get3A_119 = arith.index_cast %get3A_117 : i32 to index
    %get3A_120 = arith.index_cast %get3A_118 : i32 to index
    %get3A_121 = arith.constant 16 : index
    %get3A_122 = tpu.vector_load %arg8[%get3A_119, %get3A_120, %get3A_121] {strides = array<i32>} : memref<2x2x144xi32, #tpu.memory_space<vmem>>, vector<16xi32>,
    tpu.vector_store_idx %arg16[%get3A_122], %broadcast_in_dim3A_10 {add = true} : memref<10112xf32, #tpu.memory_space<vmem>>[vector<16xi32>], vector<16xf32>,
    %get3A_123 = arith.constant 1 : i32
    %get3A_124 = arith.constant 1 : i32
    %get3A_125 = arith.index_cast %get3A_123 : i32 to index
    %get3A_126 = arith.index_cast %get3A_124 : i32 to index
    %get3A_127 = arith.constant 32 : index
    %get3A_128 = tpu.vector_load %arg8[%get3A_125, %get3A_126, %get3A_127] {strides = array<i32>} : memref<2x2x144xi32, #tpu.memory_space<vmem>>, vector<16xi32>,
    tpu.vector_store_idx %arg16[%get3A_128], %broadcast_in_dim3A_10 {add = true} : memref<10112xf32, #tpu.memory_space<vmem>>[vector<16xi32>], vector<16xf32>,
    %get3A_129 = arith.constant 1 : i32
    %get3A_130 = arith.constant 1 : i32
    %get3A_131 = arith.index_cast %get3A_129 : i32 to index
    %get3A_132 = arith.index_cast %get3A_130 : i32 to index
    %get3A_133 = arith.constant 48 : index
    %get3A_134 = tpu.vector_load %arg8[%get3A_131, %get3A_132, %get3A_133] {strides = array<i32>} : memref<2x2x144xi32, #tpu.memory_space<vmem>>, vector<16xi32>,
    tpu.vector_store_idx %arg16[%get3A_134], %broadcast_in_dim3A_10 {add = true} : memref<10112xf32, #tpu.memory_space<vmem>>[vector<16xi32>], vector<16xf32>,
    %get3A_135 = arith.constant 1 : i32
    %get3A_136 = arith.constant 1 : i32
    %get3A_137 = arith.index_cast %get3A_135 : i32 to index
    %get3A_138 = arith.index_cast %get3A_136 : i32 to index
    %get3A_139 = arith.constant 64 : index
    %get3A_140 = tpu.vector_load %arg8[%get3A_137, %get3A_138, %get3A_139] {strides = array<i32>} : memref<2x2x144xi32, #tpu.memory_space<vmem>>, vector<16xi32>,
    tpu.vector_store_idx %arg16[%get3A_140], %broadcast_in_dim3A_10 {add = true} : memref<10112xf32, #tpu.memory_space<vmem>>[vector<16xi32>], vector<16xf32>,
    %get3A_141 = arith.constant 1 : i32
    %get3A_142 = arith.constant 1 : i32
    %get3A_143 = arith.index_cast %get3A_141 : i32 to index
    %get3A_144 = arith.index_cast %get3A_142 : i32 to index
    %get3A_145 = arith.constant 80 : index
    %get3A_146 = tpu.vector_load %arg8[%get3A_143, %get3A_144, %get3A_145] {strides = array<i32>} : memref<2x2x144xi32, #tpu.memory_space<vmem>>, vector<16xi32>,
    tpu.vector_store_idx %arg16[%get3A_146], %broadcast_in_dim3A_10 {add = true} : memref<10112xf32, #tpu.memory_space<vmem>>[vector<16xi32>], vector<16xf32>,
    %get3A_147 = arith.constant 1 : i32
    %get3A_148 = arith.constant 1 : i32
    %get3A_149 = arith.index_cast %get3A_147 : i32 to index
    %get3A_150 = arith.index_cast %get3A_148 : i32 to index
    %get3A_151 = arith.constant 96 : index
    %get3A_152 = tpu.vector_load %arg8[%get3A_149, %get3A_150, %get3A_151] {strides = array<i32>} : memref<2x2x144xi32, #tpu.memory_space<vmem>>, vector<16xi32>,
    tpu.vector_store_idx %arg16[%get3A_152], %broadcast_in_dim3A_10 {add = true} : memref<10112xf32, #tpu.memory_space<vmem>>[vector<16xi32>], vector<16xf32>,
    %get3A_153 = arith.constant 1 : i32
    %get3A_154 = arith.constant 1 : i32
    %get3A_155 = arith.index_cast %get3A_153 : i32 to index
    %get3A_156 = arith.index_cast %get3A_154 : i32 to index
    %get3A_157 = arith.constant 112 : index
    %get3A_158 = tpu.vector_load %arg8[%get3A_155, %get3A_156, %get3A_157] {strides = array<i32>} : memref<2x2x144xi32, #tpu.memory_space<vmem>>, vector<16xi32>,
    tpu.vector_store_idx %arg16[%get3A_158], %broadcast_in_dim3A_10 {add = true} : memref<10112xf32, #tpu.memory_space<vmem>>[vector<16xi32>], vector<16xf32>,
    %get3A_159 = arith.constant 1 : i32
    %get3A_160 = arith.constant 1 : i32
    %get3A_161 = arith.index_cast %get3A_159 : i32 to index
    %get3A_162 = arith.index_cast %get3A_160 : i32 to index
    %get3A_163 = arith.constant 128 : index
    %get3A_164 = tpu.vector_load %arg8[%get3A_161, %get3A_162, %get3A_163] {strides = array<i32>} : memref<2x2x144xi32, #tpu.memory_space<vmem>>, vector<16xi32>,
    tpu.vector_store_idx %arg16[%get3A_164], %broadcast_in_dim3A_10 {add = true} : memref<10112xf32, #tpu.memory_space<vmem>>[vector<16xi32>], vector<16xf32>,
    %dma_start3A_165 = arith.constant 1 : i32
    %dma_start3A_166 = arith.constant 1 : i32
    %dma_start3A_167 = arith.constant 0 : i32
    %dma_start3A_168 = tpu.memref_slice %arg8[%dma_start3A_165, %dma_start3A_166, %dma_start3A_167] : memref<2x2x144xi32, #tpu.memory_space<vmem>> -> memref<1x1x144xi32, #tpu.memory_space<vmem>>
    %dma_start3A_169 = tpu.memref_squeeze %dma_start3A_168 : memref<1x1x144xi32, #tpu.memory_space<vmem>> -> memref<144xi32, #tpu.memory_space<vmem>>
    %dma_start3A_170 = arith.constant 0 : i32
    %dma_start3A_171 = arith.constant 0 : i32
    %dma_start3A_172 = tpu.memref_slice %arg11[%dma_start3A_170, %dma_start3A_171] : memref<10112x128xf32, #tpu.memory_space<vmem_shared>> -> memref<10112x128xf32, #tpu.memory_space<vmem_shared>>
    tpu.enqueue_indirect_dma source(%arg10 : memref<144x128xf32, #tpu.memory_space<vmem>>) target(%dma_start3A_172 : memref<10112x128xf32, #tpu.memory_space<vmem_shared>>) offsets(%dma_start3A_169 : memref<144xi32, #tpu.memory_space<vmem>>) semaphore(%arg15 : memref<!tpu.dma_semaphore, #tpu.memory_space<semaphore_mem>>) {add = true}
    %dma_wait3A_173 = arith.constant 0 : i32
    %dma_wait3A_174 = arith.constant 1 : i32
    %dma_wait3A_175 = arith.constant 0 : i32
    %dma_wait3A_176 = tpu.memref_slice %arg8[%dma_wait3A_173, %dma_wait3A_174, %dma_wait3A_175] : memref<2x2x144xi32, #tpu.memory_space<vmem>> -> memref<1x1x144xi32, #tpu.memory_space<vmem>>
    %dma_wait3A_177 = tpu.memref_squeeze %dma_wait3A_176 : memref<1x1x144xi32, #tpu.memory_space<vmem>> -> memref<144xi32, #tpu.memory_space<vmem>>
    %dma_wait3A_178 = arith.constant 0 : i32
    %dma_wait3A_179 = arith.constant 0 : i32
    %dma_wait3A_180 = tpu.memref_slice %arg11[%dma_wait3A_178, %dma_wait3A_179] : memref<10112x128xf32, #tpu.memory_space<vmem_shared>> -> memref<10112x128xf32, #tpu.memory_space<vmem_shared>>
    tpu.wait_indirect_dma semaphore(%arg14 : memref<!tpu.dma_semaphore, #tpu.memory_space<semaphore_mem>>) src(%arg9 : memref<144x128xf32, #tpu.memory_space<vmem>>) dst(%dma_wait3A_180 : memref<10112x128xf32, #tpu.memory_space<vmem_shared>>)
    %dma_wait3A_181 = arith.constant 1 : i32
    %dma_wait3A_182 = arith.constant 1 : i32
    %dma_wait3A_183 = arith.constant 0 : i32
    %dma_wait3A_184 = tpu.memref_slice %arg8[%dma_wait3A_181, %dma_wait3A_182, %dma_wait3A_183] : memref<2x2x144xi32, #tpu.memory_space<vmem>> -> memref<1x1x144xi32, #tpu.memory_space<vmem>>
    %dma_wait3A_185 = tpu.memref_squeeze %dma_wait3A_184 : memref<1x1x144xi32, #tpu.memory_space<vmem>> -> memref<144xi32, #tpu.memory_space<vmem>>
    %dma_wait3A_186 = arith.constant 0 : i32
    %dma_wait3A_187 = arith.constant 0 : i32
    %dma_wait3A_188 = tpu.memref_slice %arg11[%dma_wait3A_186, %dma_wait3A_187] : memref<10112x128xf32, #tpu.memory_space<vmem_shared>> -> memref<10112x128xf32, #tpu.memory_space<vmem_shared>>
    tpu.wait_indirect_dma semaphore(%arg15 : memref<!tpu.dma_semaphore, #tpu.memory_space<semaphore_mem>>) src(%arg10 : memref<144x128xf32, #tpu.memory_space<vmem>>) dst(%dma_wait3A_188 : memref<10112x128xf32, #tpu.memory_space<vmem_shared>>)
    %barrier3A_189 = arith.constant 0 : index
    tpu.barrier barrier_id(%barrier3A_189)
    %mul3A_190 = arith.constant 632 : i32
    %mul3A_191 = arith.muli %arg1, %mul3A_190 : i32
    "tpu.region"() ({
      %run_scoped3A_199 = tpu.sem_alloc : memref<!tpu.dma_semaphore, #tpu.memory_space<semaphore_mem>>
      %dma_start3A_200 = arith.constant 0 : i32
      %dma_start3A_201 = tpu.memref_slice %arg7[%add3A, %dma_start3A_200] : memref<32x10112xf32, #tpu.memory_space<hbm>> -> memref<1x10112xf32, #tpu.memory_space<hbm>>
      %dma_start3A_202 = tpu.memref_squeeze %dma_start3A_201 : memref<1x10112xf32, #tpu.memory_space<hbm>> -> memref<10112xf32, #tpu.memory_space<hbm>>
      %dma_start3A_203 = arith.constant 0 : i32
      %dma_start3A_204 = tpu.memref_slice %arg7[%add3A, %dma_start3A_203] : memref<32x10112xf32, #tpu.memory_space<hbm>> -> memref<1x10112xf32, #tpu.memory_space<hbm>>
      %dma_start3A_205 = tpu.memref_squeeze %dma_start3A_204 : memref<1x10112xf32, #tpu.memory_space<hbm>> -> memref<10112xf32, #tpu.memory_space<hbm>>
      tpu.enqueue_dma source(%arg16 : memref<10112xf32, #tpu.memory_space<vmem>>) target(%dma_start3A_205 : memref<10112xf32, #tpu.memory_space<hbm>>) target_semaphore(%run_scoped3A_199 : memref<!tpu.dma_semaphore, #tpu.memory_space<semaphore_mem>>)
      %dma_wait3A_206 = arith.constant 0 : i32
      %dma_wait3A_207 = tpu.memref_slice %arg7[%add3A, %dma_wait3A_206] : memref<32x10112xf32, #tpu.memory_space<hbm>> -> memref<1x10112xf32, #tpu.memory_space<hbm>>
      %dma_wait3A_208 = tpu.memref_squeeze %dma_wait3A_207 : memref<1x10112xf32, #tpu.memory_space<hbm>> -> memref<10112xf32, #tpu.memory_space<hbm>>
      %dma_wait3A_209 = arith.constant 0 : i32
      %dma_wait3A_210 = tpu.memref_slice %arg7[%add3A, %dma_wait3A_209] : memref<32x10112xf32, #tpu.memory_space<hbm>> -> memref<1x10112xf32, #tpu.memory_space<hbm>>
      %dma_wait3A_211 = tpu.memref_squeeze %dma_wait3A_210 : memref<1x10112xf32, #tpu.memory_space<hbm>> -> memref<10112xf32, #tpu.memory_space<hbm>>
      tpu.wait_dma2 semaphore(%run_scoped3A_199 : memref<!tpu.dma_semaphore, #tpu.memory_space<semaphore_mem>>) src(%arg16 : memref<10112xf32, #tpu.memory_space<vmem>>) dst(%dma_wait3A_211 : memref<10112xf32, #tpu.memory_space<hbm>>)
      tpu.yield
    }) : () -> ()
    %eq3A = arith.constant 0 : i32
    %eq3A_192 = arith.cmpi eq, %arg0, %eq3A : i32
    %convert_element_type3A = arith.extui %eq3A_192 : i1 to i32
    %cond3A = arith.constant 0 : i32
    %cond3A_193 = arith.cmpi ne, %convert_element_type3A, %cond3A : i32
    scf.if %cond3A_193 {
      "tpu.region"() ({
        %run_scoped3A_199 = tpu.sem_alloc : memref<!tpu.dma_semaphore, #tpu.memory_space<semaphore_mem>>
        %dma_start3A_200 = arith.constant 0 : i32
        %dma_start3A_201 = tpu.memref_slice %arg5[%mul3A_191, %dma_start3A_200] : memref<10112x128xf32, #tpu.memory_space<hbm>> -> memref<632x128xf32, #tpu.memory_space<hbm>>
        %dma_start3A_202 = arith.constant 0 : i32
        %dma_start3A_203 = tpu.memref_slice %arg11[%mul3A_191, %dma_start3A_202] : memref<10112x128xf32, #tpu.memory_space<vmem_shared>> -> memref<632x128xf32, #tpu.memory_space<vmem_shared>>
        tpu.enqueue_dma source(%dma_start3A_203 : memref<632x128xf32, #tpu.memory_space<vmem_shared>>) target(%dma_start3A_201 : memref<632x128xf32, #tpu.memory_space<hbm>>) target_semaphore(%run_scoped3A_199 : memref<!tpu.dma_semaphore, #tpu.memory_space<semaphore_mem>>)
        %dma_wait3A_204 = arith.constant 0 : i32
        %dma_wait3A_205 = tpu.memref_slice %arg5[%mul3A_191, %dma_wait3A_204] : memref<10112x128xf32, #tpu.memory_space<hbm>> -> memref<632x128xf32, #tpu.memory_space<hbm>>
        %dma_wait3A_206 = arith.constant 0 : i32
        %dma_wait3A_207 = tpu.memref_slice %arg11[%mul3A_191, %dma_wait3A_206] : memref<10112x128xf32, #tpu.memory_space<vmem_shared>> -> memref<632x128xf32, #tpu.memory_space<vmem_shared>>
        tpu.wait_dma2 semaphore(%run_scoped3A_199 : memref<!tpu.dma_semaphore, #tpu.memory_space<semaphore_mem>>) src(%dma_wait3A_207 : memref<632x128xf32, #tpu.memory_space<vmem_shared>>) dst(%dma_wait3A_205 : memref<632x128xf32, #tpu.memory_space<hbm>>)
        tpu.yield
      }) : () -> ()
    } else {
    }
    %eq3A_194 = arith.constant 1 : i32
    %eq3A_195 = arith.cmpi eq, %arg0, %eq3A_194 : i32
    %convert_element_type3A_196 = arith.extui %eq3A_195 : i1 to i32
    %cond3A_197 = arith.constant 0 : i32
    %cond3A_198 = arith.cmpi ne, %convert_element_type3A_196, %cond3A_197 : i32
    scf.if %cond3A_198 {
      "tpu.region"() ({
        %run_scoped3A_199 = tpu.sem_alloc : memref<!tpu.dma_semaphore, #tpu.memory_space<semaphore_mem>>
        %dma_start3A_200 = arith.constant 0 : i32
        %dma_start3A_201 = tpu.memref_slice %arg6[%mul3A_191, %dma_start3A_200] : memref<10112x128xf32, #tpu.memory_space<hbm>> -> memref<632x128xf32, #tpu.memory_space<hbm>>
        %dma_start3A_202 = arith.constant 0 : i32
        %dma_start3A_203 = tpu.memref_slice %arg11[%mul3A_191, %dma_start3A_202] : memref<10112x128xf32, #tpu.memory_space<vmem_shared>> -> memref<632x128xf32, #tpu.memory_space<vmem_shared>>
        tpu.enqueue_dma source(%dma_start3A_203 : memref<632x128xf32, #tpu.memory_space<vmem_shared>>) target(%dma_start3A_201 : memref<632x128xf32, #tpu.memory_space<hbm>>) target_semaphore(%run_scoped3A_199 : memref<!tpu.dma_semaphore, #tpu.memory_space<semaphore_mem>>)
        %dma_wait3A_204 = arith.constant 0 : i32
        %dma_wait3A_205 = tpu.memref_slice %arg6[%mul3A_191, %dma_wait3A_204] : memref<10112x128xf32, #tpu.memory_space<hbm>> -> memref<632x128xf32, #tpu.memory_space<hbm>>
        %dma_wait3A_206 = arith.constant 0 : i32
        %dma_wait3A_207 = tpu.memref_slice %arg11[%mul3A_191, %dma_wait3A_206] : memref<10112x128xf32, #tpu.memory_space<vmem_shared>> -> memref<632x128xf32, #tpu.memory_space<vmem_shared>>
        tpu.wait_dma2 semaphore(%run_scoped3A_199 : memref<!tpu.dma_semaphore, #tpu.memory_space<semaphore_mem>>) src(%dma_wait3A_207 : memref<632x128xf32, #tpu.memory_space<vmem_shared>>) dst(%dma_wait3A_205 : memref<632x128xf32, #tpu.memory_space<hbm>>)
        tpu.yield
      }) : () -> ()
    } else {
    }
    return
  }
}

module attributes {stable_mosaic.version = 14 : i64} {
  func.func @body(%arg0: i32, %arg1: memref<2000x128xf32, #tpu.memory_space<vmem>>, %arg2: memref<2000x128xf32, #tpu.memory_space<vmem>>, %arg3: memref<2000x128xf32, #tpu.memory_space<vmem>>, %arg4: memref<2000x32xf32, #tpu.memory_space<vmem>>, %arg5: memref<128x512xf32, #tpu.memory_space<vmem>>, %arg6: memref<1x512xf32, #tpu.memory_space<vmem>>, %arg7: memref<128x512xf32, #tpu.memory_space<vmem>>, %arg8: memref<512x128xf32, #tpu.memory_space<vmem>>, %arg9: memref<2000x512xf32, #tpu.memory_space<vmem>>, %arg10: memref<2000x128xf32, #tpu.memory_space<vmem>>) attributes {dimension_semantics = [#tpu.dimension_semantics<arbitrary>], iteration_bounds = array<i64: 5>, scalar_prefetch = 0 : i64, scratch_operands = 0 : i64, tpu.core_type = #tpu.core_type<tc>, window_params = [{transform_indices = @transform_0, window_bounds = array<i64: 2000, 128>}, {transform_indices = @transform_1, window_bounds = array<i64: 2000, 128>}, {transform_indices = @transform_2, window_bounds = array<i64: 2000, 128>}, {transform_indices = @transform_3, window_bounds = array<i64: 2000, 32>}, {pipeline_mode = #tpu.pipeline_mode<synchronous>, transform_indices = @transform_4, window_bounds = array<i64: 128, 512>}, {pipeline_mode = #tpu.pipeline_mode<synchronous>, transform_indices = @transform_5, window_bounds = array<i64: 1, 512>}, {pipeline_mode = #tpu.pipeline_mode<synchronous>, transform_indices = @transform_6, window_bounds = array<i64: 128, 512>}, {pipeline_mode = #tpu.pipeline_mode<synchronous>, transform_indices = @transform_7, window_bounds = array<i64: 512, 128>}, {transform_indices = @transform_8, window_bounds = array<i64: 2000, 512>}, {transform_indices = @transform_9, window_bounds = array<i64: 2000, 128>}]} {
    %get3A = arith.constant 0 : index
    %get3A_0 = arith.constant 0 : index
    %get3A_1 = vector.load %arg4[%get3A, %get3A_0] : memref<2000x32xf32, #tpu.memory_space<vmem>>, vector<2000x32xf32>
    %reduce_sum3A = arith.constant dense<0.000000e+00> : vector<2000xf32>
    %reduce_sum3A_2 = vector.multi_reduction <add>, %get3A_1, %reduce_sum3A [1] : vector<2000x32xf32> to vector<2000xf32>
    %broadcast_in_dim3A = vector.shape_cast %reduce_sum3A_2 : vector<2000xf32> to vector<2000x1xf32>
    %max3A = arith.constant 1.000000e+00 : f32
    %max3A_3 = vector.broadcast %max3A : f32 to vector<2000x1xf32>
    %max3A_4 = arith.maximumf %broadcast_in_dim3A, %max3A_3 : vector<2000x1xf32>
    %div3A = arith.constant 1.000000e+00 : f32
    %div3A_5 = vector.broadcast %div3A : f32 to vector<2000x1xf32>
    %div3A_6 = arith.divf %div3A_5, %max3A_4 : vector<2000x1xf32>
    %get3A_7 = arith.constant 0 : index
    %get3A_8 = arith.constant 0 : index
    %get3A_9 = vector.load %arg2[%get3A_7, %get3A_8] : memref<2000x128xf32, #tpu.memory_space<vmem>>, vector<2000x128xf32>
    %get3A_10 = arith.constant 0 : index
    %get3A_11 = arith.constant 0 : index
    %get3A_12 = vector.load %arg3[%get3A_10, %get3A_11] : memref<2000x128xf32, #tpu.memory_space<vmem>>, vector<2000x128xf32>
    %add3A = arith.addf %get3A_9, %get3A_12 : vector<2000x128xf32>
    %mul3A = vector.broadcast %div3A_6 : vector<2000x1xf32> to vector<2000x128xf32>
    %mul3A_13 = arith.mulf %add3A, %mul3A : vector<2000x128xf32>
    %get3A_14 = arith.constant 0 : index
    %get3A_15 = arith.constant 0 : index
    %get3A_16 = vector.load %arg5[%get3A_14, %get3A_15] : memref<128x512xf32, #tpu.memory_space<vmem>>, vector<128x512xf32>
    %dot_general3A = arith.constant dense<0.000000e+00> : vector<2000x512xf32>
    %dot_general3A_17 = tpu.matmul %mul3A_13, %get3A_16, %dot_general3A {dimension_numbers = #tpu.dot_dimension_numbers<[1], [0], [0], [1], [0, 0, 1, 1], [], []>, transpose_lhs_hint = false} : vector<2000x128xf32>, vector<128x512xf32>, vector<2000x512xf32> -> vector<2000x512xf32>
    %get3A_18 = arith.constant 0 : index
    %get3A_19 = arith.constant 0 : index
    %get3A_20 = vector.load %arg6[%get3A_18, %get3A_19] : memref<1x512xf32, #tpu.memory_space<vmem>>, vector<1x512xf32>
    %add3A_21 = vector.broadcast %get3A_20 : vector<1x512xf32> to vector<2000x512xf32>
    %add3A_22 = arith.addf %dot_general3A_17, %add3A_21 : vector<2000x512xf32>
    %get3A_23 = arith.constant 0 : index
    %get3A_24 = arith.constant 0 : index
    %get3A_25 = vector.load %arg1[%get3A_23, %get3A_24] : memref<2000x128xf32, #tpu.memory_space<vmem>>, vector<2000x128xf32>
    %get3A_26 = arith.constant 0 : index
    %get3A_27 = arith.constant 0 : index
    %get3A_28 = vector.load %arg7[%get3A_26, %get3A_27] : memref<128x512xf32, #tpu.memory_space<vmem>>, vector<128x512xf32>
    %dot_general3A_29 = arith.constant dense<0.000000e+00> : vector<2000x512xf32>
    %dot_general3A_30 = tpu.matmul %get3A_25, %get3A_28, %dot_general3A_29 {dimension_numbers = #tpu.dot_dimension_numbers<[1], [0], [0], [1], [0, 0, 1, 1], [], []>, transpose_lhs_hint = false} : vector<2000x128xf32>, vector<128x512xf32>, vector<2000x512xf32> -> vector<2000x512xf32>
    %add3A_31 = arith.addf %add3A_22, %dot_general3A_30 : vector<2000x512xf32>
    %max3A_32 = arith.constant 0.000000e+00 : f32
    %max3A_33 = vector.broadcast %max3A_32 : f32 to vector<2000x512xf32>
    %max3A_34 = arith.maximumf %add3A_31, %max3A_33 : vector<2000x512xf32>
    %swap3A = arith.constant 0 : index
    %swap3A_35 = arith.constant 0 : index
    %swap3A_36 = vector.load %arg9[%swap3A, %swap3A_35] : memref<2000x512xf32, #tpu.memory_space<vmem>>, vector<2000x512xf32>
    tpu.vector_store %arg9[%swap3A, %swap3A_35], %max3A_34 {strides = array<i32>} : memref<2000x512xf32, #tpu.memory_space<vmem>>, vector<2000x512xf32>,
    %get3A_37 = arith.constant 0 : index
    %get3A_38 = arith.constant 0 : index
    %get3A_39 = vector.load %arg8[%get3A_37, %get3A_38] : memref<512x128xf32, #tpu.memory_space<vmem>>, vector<512x128xf32>
    %dot_general3A_40 = arith.constant dense<0.000000e+00> : vector<2000x128xf32>
    %dot_general3A_41 = tpu.matmul %max3A_34, %get3A_39, %dot_general3A_40 {dimension_numbers = #tpu.dot_dimension_numbers<[1], [0], [0], [1], [0, 0, 1, 1], [], []>, transpose_lhs_hint = false} : vector<2000x512xf32>, vector<512x128xf32>, vector<2000x128xf32> -> vector<2000x128xf32>
    %swap3A_42 = arith.constant 0 : index
    %swap3A_43 = arith.constant 0 : index
    %swap3A_44 = vector.load %arg10[%swap3A_42, %swap3A_43] : memref<2000x128xf32, #tpu.memory_space<vmem>>, vector<2000x128xf32>
    tpu.vector_store %arg10[%swap3A_42, %swap3A_43], %dot_general3A_41 {strides = array<i32>} : memref<2000x128xf32, #tpu.memory_space<vmem>>, vector<2000x128xf32>,
    return
  }
  func.func @transform_0(%arg0: i32) -> (i32, i32) {
    %c0_i32 = arith.constant 0 : i32
    %c0_i32_0 = arith.constant 0 : i32
    return %arg0, %c0_i32 : i32, i32
  }
  func.func @transform_1(%arg0: i32) -> (i32, i32) {
    %c0_i32 = arith.constant 0 : i32
    %c0_i32_0 = arith.constant 0 : i32
    return %arg0, %c0_i32 : i32, i32
  }
  func.func @transform_2(%arg0: i32) -> (i32, i32) {
    %c0_i32 = arith.constant 0 : i32
    %c0_i32_0 = arith.constant 0 : i32
    return %arg0, %c0_i32 : i32, i32
  }
  func.func @transform_3(%arg0: i32) -> (i32, i32) {
    %c0_i32 = arith.constant 0 : i32
    %c0_i32_0 = arith.constant 0 : i32
    return %arg0, %c0_i32 : i32, i32
  }
  func.func @transform_4(%arg0: i32) -> (i32, i32) {
    %c0_i32 = arith.constant 0 : i32
    %c0_i32_0 = arith.constant 0 : i32
    %c0_i32_1 = arith.constant 0 : i32
    return %c0_i32, %c0_i32_0 : i32, i32
  }
  func.func @transform_5(%arg0: i32) -> (i32, i32) {
    %c0_i32 = arith.constant 0 : i32
    %c0_i32_0 = arith.constant 0 : i32
    %c0_i32_1 = arith.constant 0 : i32
    return %c0_i32, %c0_i32_0 : i32, i32
  }
  func.func @transform_6(%arg0: i32) -> (i32, i32) {
    %c0_i32 = arith.constant 0 : i32
    %c0_i32_0 = arith.constant 0 : i32
    %c0_i32_1 = arith.constant 0 : i32
    return %c0_i32, %c0_i32_0 : i32, i32
  }
  func.func @transform_7(%arg0: i32) -> (i32, i32) {
    %c0_i32 = arith.constant 0 : i32
    %c0_i32_0 = arith.constant 0 : i32
    %c0_i32_1 = arith.constant 0 : i32
    return %c0_i32, %c0_i32_0 : i32, i32
  }
  func.func @transform_8(%arg0: i32) -> (i32, i32) {
    %c0_i32 = arith.constant 0 : i32
    %c0_i32_0 = arith.constant 0 : i32
    return %arg0, %c0_i32 : i32, i32
  }
  func.func @transform_9(%arg0: i32) -> (i32, i32) {
    %c0_i32 = arith.constant 0 : i32
    %c0_i32_0 = arith.constant 0 : i32
    return %arg0, %c0_i32 : i32, i32
  }
}

module attributes {stable_mosaic.version = 14 : i64} {
  func.func @body(%arg0: i32, %arg1: memref<2000x512xf32, #tpu.memory_space<vmem>>, %arg2: memref<2000x128xf32, #tpu.memory_space<vmem>>, %arg3: memref<2000x128xf32, #tpu.memory_space<vmem>>, %arg4: memref<2000x32xf32, #tpu.memory_space<vmem>>, %arg5: memref<512x128xf32, #tpu.memory_space<vmem>>, %arg6: memref<1x128xf32, #tpu.memory_space<vmem>>, %arg7: memref<2000x128xf32, #tpu.memory_space<vmem>>) attributes {dimension_semantics = [#tpu.dimension_semantics<arbitrary>], iteration_bounds = array<i64: 5>, scalar_prefetch = 0 : i64, scratch_operands = 0 : i64, tpu.core_type = #tpu.core_type<tc>, window_params = [{transform_indices = @transform_0, window_bounds = array<i64: 2000, 512>}, {transform_indices = @transform_1, window_bounds = array<i64: 2000, 128>}, {transform_indices = @transform_2, window_bounds = array<i64: 2000, 128>}, {transform_indices = @transform_3, window_bounds = array<i64: 2000, 32>}, {pipeline_mode = #tpu.pipeline_mode<synchronous>, transform_indices = @transform_4, window_bounds = array<i64: 512, 128>}, {pipeline_mode = #tpu.pipeline_mode<synchronous>, transform_indices = @transform_5, window_bounds = array<i64: 1, 128>}, {transform_indices = @transform_6, window_bounds = array<i64: 2000, 128>}]} {
    %get3A = arith.constant 0 : index
    %get3A_0 = arith.constant 0 : index
    %get3A_1 = vector.load %arg4[%get3A, %get3A_0] : memref<2000x32xf32, #tpu.memory_space<vmem>>, vector<2000x32xf32>
    %reduce_sum3A = arith.constant dense<0.000000e+00> : vector<2000xf32>
    %reduce_sum3A_2 = vector.multi_reduction <add>, %get3A_1, %reduce_sum3A [1] : vector<2000x32xf32> to vector<2000xf32>
    %broadcast_in_dim3A = vector.shape_cast %reduce_sum3A_2 : vector<2000xf32> to vector<2000x1xf32>
    %max3A = arith.constant 1.000000e+00 : f32
    %max3A_3 = vector.broadcast %max3A : f32 to vector<2000x1xf32>
    %max3A_4 = arith.maximumf %broadcast_in_dim3A, %max3A_3 : vector<2000x1xf32>
    %div3A = arith.constant 1.000000e+00 : f32
    %div3A_5 = vector.broadcast %div3A : f32 to vector<2000x1xf32>
    %div3A_6 = arith.divf %div3A_5, %max3A_4 : vector<2000x1xf32>
    %get3A_7 = arith.constant 0 : index
    %get3A_8 = arith.constant 0 : index
    %get3A_9 = vector.load %arg2[%get3A_7, %get3A_8] : memref<2000x128xf32, #tpu.memory_space<vmem>>, vector<2000x128xf32>
    %get3A_10 = arith.constant 0 : index
    %get3A_11 = arith.constant 0 : index
    %get3A_12 = vector.load %arg3[%get3A_10, %get3A_11] : memref<2000x128xf32, #tpu.memory_space<vmem>>, vector<2000x128xf32>
    %add3A = arith.addf %get3A_9, %get3A_12 : vector<2000x128xf32>
    %mul3A = vector.broadcast %div3A_6 : vector<2000x1xf32> to vector<2000x128xf32>
    %mul3A_13 = arith.mulf %add3A, %mul3A : vector<2000x128xf32>
    %get3A_14 = arith.constant 0 : index
    %get3A_15 = arith.constant 0 : index
    %get3A_16 = vector.load %arg6[%get3A_14, %get3A_15] : memref<1x128xf32, #tpu.memory_space<vmem>>, vector<1x128xf32>
    %add3A_17 = vector.broadcast %get3A_16 : vector<1x128xf32> to vector<2000x128xf32>
    %add3A_18 = arith.addf %mul3A_13, %add3A_17 : vector<2000x128xf32>
    %get3A_19 = arith.constant 0 : index
    %get3A_20 = arith.constant 0 : index
    %get3A_21 = vector.load %arg1[%get3A_19, %get3A_20] : memref<2000x512xf32, #tpu.memory_space<vmem>>, vector<2000x512xf32>
    %get3A_22 = arith.constant 0 : index
    %get3A_23 = arith.constant 0 : index
    %get3A_24 = vector.load %arg5[%get3A_22, %get3A_23] : memref<512x128xf32, #tpu.memory_space<vmem>>, vector<512x128xf32>
    %dot_general3A = arith.constant dense<0.000000e+00> : vector<2000x128xf32>
    %dot_general3A_25 = tpu.matmul %get3A_21, %get3A_24, %dot_general3A {dimension_numbers = #tpu.dot_dimension_numbers<[1], [0], [0], [1], [0, 0, 1, 1], [], []>, transpose_lhs_hint = false} : vector<2000x512xf32>, vector<512x128xf32>, vector<2000x128xf32> -> vector<2000x128xf32>
    %add3A_26 = arith.addf %add3A_18, %dot_general3A_25 : vector<2000x128xf32>
    %swap3A = arith.constant 0 : index
    %swap3A_27 = arith.constant 0 : index
    %swap3A_28 = vector.load %arg7[%swap3A, %swap3A_27] : memref<2000x128xf32, #tpu.memory_space<vmem>>, vector<2000x128xf32>
    tpu.vector_store %arg7[%swap3A, %swap3A_27], %add3A_26 {strides = array<i32>} : memref<2000x128xf32, #tpu.memory_space<vmem>>, vector<2000x128xf32>,
    return
  }
  func.func @transform_0(%arg0: i32) -> (i32, i32) {
    %c0_i32 = arith.constant 0 : i32
    %c0_i32_0 = arith.constant 0 : i32
    return %arg0, %c0_i32 : i32, i32
  }
  func.func @transform_1(%arg0: i32) -> (i32, i32) {
    %c0_i32 = arith.constant 0 : i32
    %c0_i32_0 = arith.constant 0 : i32
    return %arg0, %c0_i32 : i32, i32
  }
  func.func @transform_2(%arg0: i32) -> (i32, i32) {
    %c0_i32 = arith.constant 0 : i32
    %c0_i32_0 = arith.constant 0 : i32
    return %arg0, %c0_i32 : i32, i32
  }
  func.func @transform_3(%arg0: i32) -> (i32, i32) {
    %c0_i32 = arith.constant 0 : i32
    %c0_i32_0 = arith.constant 0 : i32
    return %arg0, %c0_i32 : i32, i32
  }
  func.func @transform_4(%arg0: i32) -> (i32, i32) {
    %c0_i32 = arith.constant 0 : i32
    %c0_i32_0 = arith.constant 0 : i32
    %c0_i32_1 = arith.constant 0 : i32
    return %c0_i32, %c0_i32_0 : i32, i32
  }
  func.func @transform_5(%arg0: i32) -> (i32, i32) {
    %c0_i32 = arith.constant 0 : i32
    %c0_i32_0 = arith.constant 0 : i32
    %c0_i32_1 = arith.constant 0 : i32
    return %c0_i32, %c0_i32_0 : i32, i32
  }
  func.func @transform_6(%arg0: i32) -> (i32, i32) {
    %c0_i32 = arith.constant 0 : i32
    %c0_i32_0 = arith.constant 0 : i32
    return %arg0, %c0_i32 : i32, i32
  }
}

</mosaic_0001>

<sc_bundles>
// kernel: kernel.6.cloned.1.call-start
scs
__scs_entry_jumppad:
0x0: {  	(pc) =	sbr.rel $0x88, $3  }
0x1: {  	(tag) =	ssettag $0x0;
	lr =	simm.s32 $0x1  }
0x2: {  	[smem:$0x3F99] =	sst lr;
	_ =	strace $0xD0000000  }
0x3: {  	_ = 	snop  }
0x4: {  	_ = 	snop  }
0x5: {  	_ = 	snop  }
0x6: {  	_ = 	snop  }
0x7: {  	_ = 	snop  }
__scs_overlays_trampoline_lowered:
0x8: {  	[smem:$0x3FA8] =	sst s0  }
0x9: {  	[smem:$0x3FA9] =	sst s1  }
0xa: {  	[smem:$0x3FAA] =	sst s2  }
0xb: {  	[smem:$0x3FAB] =	sst s3  }
0xc: {  	[smem:$0x3FAC] =	sst s4  }
0xd: {  	[smem:$0x3FAD] =	sst s5  }
0xe: {  	[smem:$0x3FAE] =	sst s6  }
0xf: {  	[smem:$0x3FAF] =	sst s7  }
0x10: {  	[smem:$0x3FB0] =	sst s8  }
0x11: {  	[smem:$0x3FB1] =	sst s9;
	s0 =	simm.s32 @!p0 $0x0  }
0x12: {  	s1 =	sld [smem:$0x3F97];
	s0 =	simm.s32 @p0 $0x1  }
0x13: {  	[smem:$0x3FB2] =	sst s0;
	s0 =	simm.s32 @!p1 $0x0  }
0x14: {  	s2 =	sld [smem:$0x3F96];
	s0 =	simm.s32 @p1 $0x1  }
0x15: {  	[smem:$0x3FB3] =	sst s0;
	s0 =	simm.s32 @!p2 $0x0  }
0x16: {  	s3 =	sld [smem:$0x3FDB];
	s0 =	simm.s32 @p2 $0x1  }
0x17: {  	s4 =	simm.s32 $0x1BF5;
	[smem:$0x3FB5] =	sst s0  }
0x18: {  	s0 =	sld [smem:$0x3F98];
	_ =	swait.ge [sflag:s4], $0x0  }
0x19: {  	s7 =	sld [smem:$0x3F99]  }
0x1a: {  	s8 =	sadd.s32 $0xFFFFE003, lr  }
0x1b: {  	s9 =	sadd.s32 $0xFFFFFEF7, lr;
	s5 =	simm.s32 $0xFFFFFFFF;
	p2 =	slt.u32 s8, $0xFFFFF086  }
0x1c: {  	p1 =	slt.u32 s9, $0xF7A;
	s5 =	simm.s32 @!p2 $0x0  }
0x1d: {  	s5 =	simm.s32 @p1 $0x1;
	p0 =	seq.s32 s7, s2  }
0x1e: {  	s7 =	smul.u32 @!p0 $0xF7A, s2;
	p2 =	seq.s32 @!p0 s5, $0x0  }
0x1f: {  	s9 =	smul.u32 $0xF7A, s1;
	s8 =	simm.s32 @!p0 $0x1BF5;
	p2 =	por !p2, p0  }
0x20: {  	[sflag:s8] =	ssyncset.s32 @!p0 $0xFFFFF086;
	s6 =	sadd.s32 @!p0 s3, s7;
	s7 =	simm.s32 @!p0 $0x108  }
0x21: {  	s3 =	sadd.s32 s3, s9;
	s6 =	sadd.s32 @!p0 $0x88, s6;
	s7 =	simm.s32 @p2 $0x1082  }
0x22: {  	[simem:s7], [sflag:s8] =	dma.local @!p0 [hbm:s6], $0xF7A  }
0x23: {  	s9 =	sor.u32 $0xD0000000, s2;
	s6 =	simm.s32 $0x108;
	_ =	swait.ge @!p0 [sflag:s8], $0x0  }
0x24: {  	s3 =	sadd.s32 $0x88, s3;
	s6 =	simm.s32 @!p1 $0x1082;
	[sflag:s4] =	ssyncset.s32 $0xFFFFF086  }
0x25: {  	[simem:s6], [sflag:s4] =	dma.local [hbm:s3], $0xF7A  }
0x26: {  	[smem:$0x3F99] =	sst s1;
	(tag) =	ssettag s2;
	_ =	strace s9  }
0x27: {  	s1 =	sld [smem:$0x3FA9]  }
0x28: {  	s2 =	sld [smem:$0x3FAA]  }
0x29: {  	s4 =	sld [smem:$0x3FAC]  }
0x2a: {  	p0 =	seq.s32 s5, $0x0;
	s5 =	sld [smem:$0x3FAD]  }
0x2b: {  	s6 =	sld [smem:$0x3FAE]  }
0x2c: {  	s7 =	sld [smem:$0x3FAF]  }
0x2d: {  	s3 =	simm.s32 $0x108;
	s8 =	sld [smem:$0x3FB0]  }
0x2e: {  	s3 =	simm.s32 @!p0 $0x1082;
	s9 =	sld [smem:$0x3FB1]  }
0x2f: {  	lr =	sadd.s32 s0, s3;
	s0 =	sld [smem:$0x3FA8]  }
0x30: {  	s3 =	sld [smem:$0x3FAB]  }
0x31: {  	[smem:$0x3FB4] =	sst s10  }
0x32: {  	s10 =	sld [smem:$0x3FB2];
	_ =	sdelay $0x3  }
0x33: {  	p0 =	seq.s32 s10, $0x1;
	s10 =	sld [smem:$0x3FB4];
	_ =	sdelay $0x3  }
0x34: {  	[smem:$0x3FB4] =	sst s10  }
0x35: {  	s10 =	sld [smem:$0x3FB3];
	_ =	sdelay $0x3  }
0x36: {  	p1 =	seq.s32 s10, $0x1;
	s10 =	sld [smem:$0x3FB4];
	_ =	sdelay $0x3  }
0x37: {  	[smem:$0x3FB4] =	sst s10  }
0x38: {  	s10 =	sld [smem:$0x3FB5]  }
0x39: {  	_ = 	snop;
	(pc) =	sbr.ind lr, $3  }
0x3a: {  	_ = 	snop  }
0x3b: {  	_ = 	snop  }
0x3c: {  	p2 =	seq.s32 s10, $0x1;
	s10 =	sld [smem:$0x3FB4]  }
0x3d: {  	_ =	shalt  }
0x3e: {  	_ =	shalt  }
0x3f: {  	_ =	shalt  }
0x40: {  	_ =	shalt  }
0x41: {  	_ =	shalt  }
0x42: {  	_ =	shalt  }
0x43: {  	_ =	shalt  }
0x44: {  	_ =	shalt  }
0x45: {  	_ =	shalt  }
0x46: {  	_ =	shalt  }
0x47: {  	_ =	shalt  }
0x48: {  	_ =	shalt  }
0x49: {  	_ =	shalt  }
0x4a: {  	_ =	shalt  }
0x4b: {  	_ =	shalt  }
0x4c: {  	_ =	shalt  }
0x4d: {  	_ =	shalt  }
0x4e: {  	_ =	shalt  }
0x4f: {  	_ =	shalt  }
0x50: {  	_ =	shalt  }
0x51: {  	_ =	shalt  }
0x52: {  	_ =	shalt  }
0x53: {  	_ =	shalt  }
0x54: {  	_ =	shalt  }
0x55: {  	_ =	shalt  }
0x56: {  	_ =	shalt  }
0x57: {  	_ =	shalt  }
0x58: {  	_ =	shalt  }
0x59: {  	_ =	shalt  }
0x5a: {  	_ =	shalt  }
0x5b: {  	_ =	shalt  }
0x5c: {  	_ =	shalt  }
0x5d: {  	_ =	shalt  }
0x5e: {  	_ =	shalt  }
0x5f: {  	_ =	shalt  }
0x60: {  	_ =	shalt  }
0x61: {  	_ =	shalt  }
0x62: {  	_ =	shalt  }
0x63: {  	_ =	shalt  }
0x64: {  	_ =	shalt  }
0x65: {  	_ =	shalt  }
0x66: {  	_ =	shalt  }
0x67: {  	_ =	shalt  }
0x68: {  	_ =	shalt  }
0x69: {  	_ =	shalt  }
0x6a: {  	_ =	shalt  }
0x6b: {  	_ =	shalt  }
0x6c: {  	_ =	shalt  }
0x6d: {  	_ =	shalt  }
0x6e: {  	_ =	shalt  }
0x6f: {  	_ =	shalt  }
0x70: {  	_ =	shalt  }
0x71: {  	_ =	shalt  }
0x72: {  	_ =	shalt  }
0x73: {  	_ =	shalt  }
0x74: {  	_ =	shalt  }
0x75: {  	_ =	shalt  }
0x76: {  	_ =	shalt  }
0x77: {  	_ =	shalt  }
0x78: {  	_ =	shalt  }
0x79: {  	_ =	shalt  }
0x7a: {  	_ =	shalt  }
0x7b: {  	_ =	shalt  }
0x7c: {  	_ =	shalt  }
0x7d: {  	_ =	shalt  }
0x7e: {  	_ =	shalt  }
0x7f: {  	_ =	shalt  }
0x80: {  	_ =	shalt  }
0x81: {  	_ =	shalt  }
0x82: {  	_ =	shalt  }
0x83: {  	_ =	shalt  }
0x84: {  	_ =	shalt  }
0x85: {  	_ =	shalt  }
0x86: {  	_ =	shalt  }
0x87: {  	_ =	shalt  }
.Lfunc_end0:
.L_simem_size_0:
called_computation_lowered:
.L_overlay_start_0:
0x88: {  	s2 =	sld [smem:$0x3FD9]  }
0x89: {  	s3 =	sld [smem:$0x3FFE];
	_ =	sdelay $0x1  }
0x8a: {  	s1 =	srdreg.scid  }
0x8b: {  	s0 =	sand.u32 $0x1, s1  }
0x8c: {  	s17 =	sshll.u32 s0, $0xA;
	s2 =	sadd.s32 s3, s2  }
0x8d: {  	s2 =	sadd.s32 s2, s17  }
0x8e: {  	[smem:$0x3FC0] =	sst s2  }
0x8f: {  	_ = 	snop  }
0x90: {  	s2 =	sld [smem:$0x3FC9]  }
0x91: {  	s18 =	sld [smem:$0x3FD0];
	(tm) =	ssettm $0x1  }
0x92: {  	s4 =	sld [smem:$0x3FFB];
	_ =	sdelay $0x3  }
0x93: {  	_ =	strace s4  }
0x94: {  	s4 =	sld [smem:$0x3FFC];
	_ =	sdelay $0x3  }
0x95: {  	_ =	strace s4  }
0x96: {  	s4 =	sld [smem:$0x3FFD];
	_ =	sdelay $0x3  }
0x97: {  	_ =	strace s4  }
0x98: {  	_ =	strace $0x8FFFFFFF  }
0x99: {  	s19 =	sld [smem:$0x3FDB];
	_ =	sdelay $0x1  }
0x9a: {  	s5 =	simm.s32 $_scs_section_size  }
0x9b: {  	s6 =	simm.s32 $_size__tile_overlayer_lowered;
	s7 =	simm.s32 $_tile_overlayer_lowered  }
0x9c: {  	s22 =	simm.s32 $0x1BFF;
	s21 =	sshll.u32 s7, $0x1;
	s4 =	sadd.s32 s5, s19  }
0x9d: {  	s8 =	simm.s32 $0x0;
	s20 =	sshll.u32 s6, $0x1;
	s6 =	sadd.s32 s21, s4  }
0x9e: {  	[timem:s8], [sflag:s22] =	dma.local [hbm:s6], s20  }
0x9f: {  	_ =	swait.ge [sflag:s22], s20  }
0xa0: {  	s5 =	ssub.s32 $0x0, s20;
	[sflag:s22] =	ssyncset.done $0x0  }
0xa1: {  	[sflag:s22] =	ssyncadd.s32 s5;
	_ =	sdelay $0x1  }
0xa2: {  	s23 =	simm.s32 $0x1B8B  }
0xa3: {  	_ =	swait.ge [sflag:s23], $0x1  }
0xa4: {  	[sflag:s23] =	ssyncset.done $0x0  }
0xa5: {  	s25 =	simm.s32 $0x1B8E;
	s24 =	sld [smem:$0x3FFE];
	[sflag:s23] =	ssyncadd.s32 $0xFFFFFFFF  }
0xa6: {  	s26 =	simm.s32 $execute0_lowered;
	[smem:$0x3FD2] =	sst s25  }
0xa7: {  	s6 =	sshll.u32 s26, $0x1;
	_ =	strace $0x80000046;
	[dreg:$0x1] =	wrdreg $0xFFFFFFFF  }
0xa8: {  	s28 =	simm.s32 $_size_execute0_lowered;
	s4 =	sadd.s32 s4, s6;
	[dreg:$0x0] =	wrdreg $0x0  }
0xa9: {  	s6 =	sshll.u32 s28, $0x1;
	[dreg:$0x2] =	wrdreg s4  }
0xaa: {  	[dreg:$0x3] =	wrdreg s6  }
0xab: {  	[dreg:$0x4] =	wrdreg $0xC0  }
0xac: {  	_ =	task [dreg:s8], $0x5FFFF  }
0xad: {  	[dreg:$0x1] =	wrdreg $0xFFFFFFFF  }
0xae: {  	[dreg:$0x0] =	wrdreg $0x60  }
0xaf: {  	[dreg:$0x2] =	wrdreg s2  }
0xb0: {  	[dreg:$0x3] =	wrdreg s24  }
0xb1: {  	[dreg:$0x4] =	wrdreg s18  }
0xb2: {  	[dreg:$0x5] =	wrdreg $0x92400  }
0xb3: {  	[dreg:$0x6] =	wrdreg $0x9  }
0xb4: {  	_ =	task.clear_ibuf [dreg:s8], $0x7FFFF;
	_ =	strace $0x90000046  }
0xb5: {  	s29 =	simm.s32 $0x9;
	_ =	strace $0x80000048  }
0xb6: {  	_ =	swait.ge [sflag:s29], $0x1  }
0xb7: {  	[sflag:s29] =	ssyncadd.s32 $0xFFFFFFFF  }
0xb8: {  	_ =	strace $0x90000048  }
0xb9: {  	_ =	sfence  }
0xba: {  	s30 =	sld [smem:$0x0];
	_ =	sdelay $0x2  }
0xbb: {  	s31 =	sshll.u32 s1, $0xD;
	s1 =	sshrl.u32 s1, $0x2  }
0xbc: {  	s3 =	sand.u32 $0x4000, s31;
	s1 =	sadd.s32 s1, s30  }
0xbd: {  	s0 =	sor.u32 s3, s0;
	s1 =	sshll.u32 s1, $0x11  }
0xbe: {  	s0 =	sor.u32 s1, s0  }
0xbf: {  	s0 =	sadd.s32 $0x8F2B, s0  }
0xc0: {  	[sflag:s0] =	ssyncadd.remote.s32 $0x1  }
0xc1: {  	_ =	sfence.sel $0xFFFF  }
0xc2: {  	[dreg:$0x0] =	wrdreg $0xFFFFFFFF;
	(pc) =	sbr.abs _section_cstart, $3  }
0xc3: {  	[dreg:$0x1] =	wrdreg $0xFFFFFFFF  }
0xc4: {  	_ =	task.clear_ibuf [dreg:s8], $0x2FFFF;
	_ =	strace $0x9FFFFFFF  }
0xc5: {  	(tm) =	ssettm $0x7FFFFFFF  }
tec
execute0_lowered:
.L_overlay_start_1:
0x0: {  	(tag) =	ssettag $0x1  }
0x1: {  	s1 =	rddreg [dreg:$0x0]  }
0x2: {  	s11 =	rddreg [dreg:$0x1]  }
0x3: {  	s10 =	rddreg [dreg:$0x2]  }
0x4: {  	s2 =	rddreg [dreg:$0x3]  }
0x5: {  	s0 =	rddreg [dreg:$0x4];
	s3 =	simm.s32 $0x0;
	s4 =	srdreg.scid  }
0x6: {  	s19 =	simm.s32 $0x1;
	s20 =	simm.s32 $0x1CE40;
	s21 =	simm.s32 $0x120  }
0x7: {  	s22 =	simm.s32 $0x4A40;
	s23 =	simm.s32 $0x2;
	s24 =	simm.s32 $0x1B0  }
0x8: {  	s28 =	simm.s32 $0x0;
	s12 =	sand.u32 $0x1, s4;
	s4 =	stileid.u32  }
0x9: {  	[smem:$0x7FF] =	sst s3;
	s5 =	sadd.s32 $0x3200, s11;
	s13 =	smul.u32 $0x13C00, s4  }
0xa: {  	_ =	strace $0x80000047;
	s6 =	sshll.u32 s12, $0x4;
	s29 =	smul.u32 $0x4FE00, s12  }
0xb: {  	s7 =	ssub.s32 $0x2, s12;
	s25 =	sshll.u32 s4, $0x6;
	s18 =	smul.u32 $0x4FE0, s4  }
0xc: {  	p0 =	seq.s32 s12, $0x1;
	s12 =	simm.s32 $0x41200;
	s8 =	sor.u32 s4, s6  }
0xd: {  	s6 =	sadd.s32 $0x17200, s11;
	s9 =	sshrl.u32 s7, $0x1;
	s12 =	simm.s32 @!p0 $0x19A00  }
0xe: {  	s14 =	smul.u32 $0x4FE0, s8;
	s15 =	ssub.s32 s7, s9;
	s16 =	sadd.s32 s13, s2  }
0xf: {  	s17 =	smul.u32 $0x4F0, s8;
	s7 =	sor.u32 $0x1C05, s25;
	s13 =	sshrl.u32 s13, $0x3  }
0x10: {  	s12 =	sadd.s32 s12, s11;
	s25 =	simm.s32 $0x3;
	s11 =	smax.u32 s15, $0x1  }
0x11: {  	s12 =	sadd.s32 s12, s13;
	s15 =	sshrl.u32 s16, $0x3;
	s16 =	simm.s32 $0x5  }
0x12: {  	s26 =	sshrl.u32 s14, $0x3;
	s10 =	sadd.s32 s10, s17;
	s14 =	sadd.s32 s18, s29  }
0x13: {  	s17 =	simm.s32 $0x90;
	s18 =	simm.s32 $0x240;
	s30 =	sadd.s32 $0x360, s14  }
0x14: {  	s8 =	sadd.s32 s5, s26;
	s14 =	sadd.s32 $0x240, s14;
	s31 =	sshrl.u32 s30, $0x3  }
0x15: {  	v0 =	vimm.f32 $0.0e+00;
	v1 =	vimm.f32 $1.000000000e+00;
	s26 =	simm.s32 $0x4;
	s9 =	sadd.s32 $0x24, s8;
	s13 =	sadd.s32 s31, s5  }
.LBB2_1:
0x16: {  	[spmem:s15], [sflag:s7] =	dma.local [hbm:s6], $0x2780  }
0x17: {  	_ =	swait.ge [sflag:s16], $0x2780  }
0x18: {  	[sflag:s16] =	ssyncset.done $0x0  }
0x19: {  	s29 =	simm.s32 $0x40;
	s30 =	simm.s32 $0x0;
	[sflag:s16] =	ssyncadd.s32 $0xFFFFD880  }
.LBB2_2:
0x1a: {  	p0 =	sne.s32 s29, $0x9DC0;
	[tilespmem:s30+$0x1CE40] =	vst v0;
	s30 =	smov.u32 s29;
	s29 =	sadd.s32 $0x40, s29  }
.Ltmp0:
0x1b: {  	(pc) =	sbr.rel @p0 .LBB2_2-.Ltmp0, $2  }
0x1c: {  	_ =	sdelay $0x2  }
0x1d: {  	s30 =	sshra.s32 s30, $0x2  }
0x1e: {  	[tilespmem:s30+$0x1CE40] =	vst v0  }
0x1f: {  	s29 =	simm.s32 $0x0;
	[bflag:$0x0] =	sbarrier.arrive $0xFFFF  }
0x20: {  	[tilespmem:s29], [sflag:$0x5] =	stream.linear.gather [hbm4b:s8+s29], $0x120, $0x38;
	[tilespmem:$0x1F5C0] =	vst v63  }
0x21: {  	_ =	swait.ge [sflag:s16], $0x120  }
0x22: {  	[sflag:s16] =	ssyncset.done $0x0  }
0x23: {  	[sflag:s16] =	ssyncadd.s32 $0xFFFFFEE0  }
0x24: {  	[tilespmem:s18], [sflag:$0x1] =	stream.indirect.gather [hbm4b:s1+s17], $0x80, s29, s17, $0xb8;
	[tilespmem:$0x1F5C0] =	vst v63  }
0x25: {  	_ =	swait.ge [sflag:s19], $0x4800  }
0x26: {  	[sflag:s19] =	ssyncset.done $0x0  }
0x27: {  	[sflag:s19] =	ssyncadd.s32 $0xFFFFB800  }
0x28: {  	v2 =	vld [tilespmem:$0x90];
	_ =	sdelay $0x7  }
0x29: {  	[tilespmem:v2+s20+$0x0] =	vst.idx.add.f32.msk $0xffff, v1  }
0x2a: {  	v2 =	vld [tilespmem:$0xA0];
	_ =	sdelay $0x7  }
0x2b: {  	[tilespmem:v2+s20+$0x0] =	vst.idx.add.f32.msk $0xffff, v1  }
0x2c: {  	v2 =	vld [tilespmem:$0xB0];
	_ =	sdelay $0x7  }
0x2d: {  	[tilespmem:v2+s20+$0x0] =	vst.idx.add.f32.msk $0xffff, v1  }
0x2e: {  	v2 =	vld [tilespmem:$0xC0];
	_ =	sdelay $0x7  }
0x2f: {  	[tilespmem:v2+s20+$0x0] =	vst.idx.add.f32.msk $0xffff, v1  }
0x30: {  	v2 =	vld [tilespmem:$0xD0];
	_ =	sdelay $0x7  }
0x31: {  	[tilespmem:v2+s20+$0x0] =	vst.idx.add.f32.msk $0xffff, v1  }
0x32: {  	v2 =	vld [tilespmem:$0xE0];
	_ =	sdelay $0x7  }
0x33: {  	[tilespmem:v2+s20+$0x0] =	vst.idx.add.f32.msk $0xffff, v1  }
0x34: {  	v2 =	vld [tilespmem:$0xF0];
	_ =	sdelay $0x7  }
0x35: {  	[tilespmem:v2+s20+$0x0] =	vst.idx.add.f32.msk $0xffff, v1  }
0x36: {  	v2 =	vld [tilespmem:$0x100];
	_ =	sdelay $0x7  }
0x37: {  	[tilespmem:v2+s20+$0x0] =	vst.idx.add.f32.msk $0xffff, v1  }
0x38: {  	v2 =	vld [tilespmem:$0x110];
	_ =	sdelay $0x7  }
0x39: {  	[tilespmem:v2+s20+$0x0] =	vst.idx.add.f32.msk $0xffff, v1  }
0x3a: {  	[spmem:s2] =	stream.indirect.scatter.add.f32 [tilespmem:s18], [sflag:$0x3], $0x80, s17, s17, $0xb8;
	[tilespmem:$0x1F5C0] =	vst v63  }
0x3b: {  	_ = 	snop  }
0x3c: {  	[tilespmem:s21], [sflag:$0x5] =	stream.linear.gather [hbm4b:s9+s29], $0x120, $0x38;
	[tilespmem:$0x1F5C0] =	vst v63  }
0x3d: {  	_ =	swait.ge [sflag:s16], $0x120  }
0x3e: {  	[sflag:s16] =	ssyncset.done $0x0  }
0x3f: {  	s30 =	smov.u32 s14;
	[sflag:s16] =	ssyncadd.s32 $0xFFFFFEE0  }
0x40: {  	[tilespmem:s22], [sflag:$0x2] =	stream.indirect.gather [hbm4b:s1+s17], $0x80, s21, s17, $0xb8;
	[tilespmem:$0x1F5C0] =	vst v63  }
.LBB2_4:
0x41: {  	_ =	swait.ge [sflag:s23], $0x4800  }
0x42: {  	[sflag:s23] =	ssyncset.done $0x0  }
0x43: {  	[sflag:s23] =	ssyncadd.s32 $0xFFFFB800  }
0x44: {  	v2 =	vld [tilespmem:$0x1B0];
	_ =	sdelay $0x7  }
0x45: {  	[tilespmem:v2+s20+$0x0] =	vst.idx.add.f32.msk $0xffff, v1  }
0x46: {  	v2 =	vld [tilespmem:$0x1C0];
	_ =	sdelay $0x7  }
0x47: {  	[tilespmem:v2+s20+$0x0] =	vst.idx.add.f32.msk $0xffff, v1  }
0x48: {  	v2 =	vld [tilespmem:$0x1D0];
	_ =	sdelay $0x7  }
0x49: {  	[tilespmem:v2+s20+$0x0] =	vst.idx.add.f32.msk $0xffff, v1  }
0x4a: {  	v2 =	vld [tilespmem:$0x1E0];
	_ =	sdelay $0x7  }
0x4b: {  	[tilespmem:v2+s20+$0x0] =	vst.idx.add.f32.msk $0xffff, v1  }
0x4c: {  	v2 =	vld [tilespmem:$0x1F0];
	_ =	sdelay $0x7  }
0x4d: {  	[tilespmem:v2+s20+$0x0] =	vst.idx.add.f32.msk $0xffff, v1  }
0x4e: {  	v2 =	vld [tilespmem:$0x200];
	_ =	sdelay $0x7  }
0x4f: {  	[tilespmem:v2+s20+$0x0] =	vst.idx.add.f32.msk $0xffff, v1  }
0x50: {  	v2 =	vld [tilespmem:$0x210];
	_ =	sdelay $0x7  }
0x51: {  	[tilespmem:v2+s20+$0x0] =	vst.idx.add.f32.msk $0xffff, v1  }
0x52: {  	v2 =	vld [tilespmem:$0x220];
	_ =	sdelay $0x7  }
0x53: {  	[tilespmem:v2+s20+$0x0] =	vst.idx.add.f32.msk $0xffff, v1  }
0x54: {  	v2 =	vld [tilespmem:$0x230];
	_ =	sdelay $0x7  }
0x55: {  	[tilespmem:v2+s20+$0x0] =	vst.idx.add.f32.msk $0xffff, v1  }
0x56: {  	[spmem:s2] =	stream.indirect.scatter.add.f32 [tilespmem:s22], [sflag:$0x4], $0x80, s24, s17, $0xb8;
	[tilespmem:$0x1F5C0] =	vst v63  }
0x57: {  	_ =	swait.ge [sflag:s25], $0x4800  }
0x58: {  	s31 =	sshrl.u32 s30, $0x3;
	[sflag:s25] =	ssyncset.done $0x0  }
0x59: {  	s31 =	sadd.s32 s5, s31;
	[sflag:s25] =	ssyncadd.s32 $0xFFFFB800  }
0x5a: {  	[tilespmem:s3], [sflag:$0x5] =	stream.linear.gather [hbm4b:s31+s3], $0x120, $0x38;
	[tilespmem:$0x1F5C0] =	vst v63  }
0x5b: {  	_ =	swait.ge [sflag:s16], $0x120  }
0x5c: {  	[sflag:s16] =	ssyncset.done $0x0  }
0x5d: {  	[sflag:s16] =	ssyncadd.s32 $0xFFFFFEE0  }
0x5e: {  	[tilespmem:s18], [sflag:$0x1] =	stream.indirect.gather [hbm4b:s1+s17], $0x80, s3, s17, $0xb8;
	[tilespmem:$0x1F5C0] =	vst v63  }
0x5f: {  	_ =	swait.ge [sflag:s19], $0x4800  }
0x60: {  	[sflag:s19] =	ssyncset.done $0x0  }
0x61: {  	[sflag:s19] =	ssyncadd.s32 $0xFFFFB800  }
0x62: {  	v2 =	vld [tilespmem:$0x90];
	_ =	sdelay $0x7  }
0x63: {  	[tilespmem:v2+s20+$0x0] =	vst.idx.add.f32.msk $0xffff, v1  }
0x64: {  	v2 =	vld [tilespmem:$0xA0];
	_ =	sdelay $0x7  }
0x65: {  	[tilespmem:v2+s20+$0x0] =	vst.idx.add.f32.msk $0xffff, v1  }
0x66: {  	v2 =	vld [tilespmem:$0xB0];
	_ =	sdelay $0x7  }
0x67: {  	[tilespmem:v2+s20+$0x0] =	vst.idx.add.f32.msk $0xffff, v1  }
0x68: {  	v2 =	vld [tilespmem:$0xC0];
	_ =	sdelay $0x7  }
0x69: {  	[tilespmem:v2+s20+$0x0] =	vst.idx.add.f32.msk $0xffff, v1  }
0x6a: {  	v2 =	vld [tilespmem:$0xD0];
	_ =	sdelay $0x7  }
0x6b: {  	[tilespmem:v2+s20+$0x0] =	vst.idx.add.f32.msk $0xffff, v1  }
0x6c: {  	v2 =	vld [tilespmem:$0xE0];
	_ =	sdelay $0x7  }
0x6d: {  	[tilespmem:v2+s20+$0x0] =	vst.idx.add.f32.msk $0xffff, v1  }
0x6e: {  	v2 =	vld [tilespmem:$0xF0];
	_ =	sdelay $0x7  }
0x6f: {  	[tilespmem:v2+s20+$0x0] =	vst.idx.add.f32.msk $0xffff, v1  }
0x70: {  	v2 =	vld [tilespmem:$0x100];
	_ =	sdelay $0x7  }
0x71: {  	[tilespmem:v2+s20+$0x0] =	vst.idx.add.f32.msk $0xffff, v1  }
0x72: {  	v2 =	vld [tilespmem:$0x110];
	_ =	sdelay $0x7  }
0x73: {  	[tilespmem:v2+s20+$0x0] =	vst.idx.add.f32.msk $0xffff, v1  }
0x74: {  	[spmem:s2] =	stream.indirect.scatter.add.f32 [tilespmem:s18], [sflag:$0x3], $0x80, s17, s17, $0xb8;
	[tilespmem:$0x1F5C0] =	vst v63  }
0x75: {  	_ =	swait.ge [sflag:s26], $0x4800  }
0x76: {  	[sflag:s26] =	ssyncset.done $0x0  }
0x77: {  	p0 =	sne.s32 s29, $0x948;
	s31 =	sadd.s32 s29, s13;
	[sflag:s26] =	ssyncadd.s32 $0xFFFFB800  }
0x78: {  	[tilespmem:s21], [sflag:$0x5] =	stream.linear.gather [hbm4b:s31+s3], $0x120, $0x38;
	[tilespmem:$0x1F5C0] =	vst v63  }
.Ltmp1:
0x79: {  	_ = 	snop;
	(pc) =	sbr.rel @p0 .LBB2_4-.Ltmp1, $4  }
0x7a: {  	_ =	swait.ge [sflag:s16], $0x120  }
0x7b: {  	[sflag:s16] =	ssyncset.done $0x0  }
0x7c: {  	s30 =	sadd.s32 $0x240, s30;
	s29 =	sadd.s32 $0x48, s29;
	[sflag:s16] =	ssyncadd.s32 $0xFFFFFEE0  }
0x7d: {  	[tilespmem:s22], [sflag:$0x2] =	stream.indirect.gather [hbm4b:s1+s17], $0x80, s21, s17, $0xb8;
	[tilespmem:$0x1F5C0] =	vst v63  }
0x7e: {  	_ =	swait.ge [sflag:s23], $0x4800  }
0x7f: {  	[sflag:s23] =	ssyncset.done $0x0  }
0x80: {  	[sflag:s23] =	ssyncadd.s32 $0xFFFFB800  }
0x81: {  	v2 =	vld [tilespmem:$0x1B0];
	_ =	sdelay $0x7  }
0x82: {  	[tilespmem:v2+s20+$0x0] =	vst.idx.add.f32.msk $0xffff, v1  }
0x83: {  	v2 =	vld [tilespmem:$0x1C0];
	_ =	sdelay $0x7  }
0x84: {  	[tilespmem:v2+s20+$0x0] =	vst.idx.add.f32.msk $0xffff, v1  }
0x85: {  	v2 =	vld [tilespmem:$0x1D0];
	_ =	sdelay $0x7  }
0x86: {  	[tilespmem:v2+s20+$0x0] =	vst.idx.add.f32.msk $0xffff, v1  }
0x87: {  	v2 =	vld [tilespmem:$0x1E0];
	_ =	sdelay $0x7  }
0x88: {  	[tilespmem:v2+s20+$0x0] =	vst.idx.add.f32.msk $0xffff, v1  }
0x89: {  	v2 =	vld [tilespmem:$0x1F0];
	_ =	sdelay $0x7  }
0x8a: {  	[tilespmem:v2+s20+$0x0] =	vst.idx.add.f32.msk $0xffff, v1  }
0x8b: {  	v2 =	vld [tilespmem:$0x200];
	_ =	sdelay $0x7  }
0x8c: {  	[tilespmem:v2+s20+$0x0] =	vst.idx.add.f32.msk $0xffff, v1  }
0x8d: {  	v2 =	vld [tilespmem:$0x210];
	_ =	sdelay $0x7  }
0x8e: {  	[tilespmem:v2+s20+$0x0] =	vst.idx.add.f32.msk $0xffff, v1  }
0x8f: {  	v2 =	vld [tilespmem:$0x220];
	_ =	sdelay $0x7  }
0x90: {  	[tilespmem:v2+s20+$0x0] =	vst.idx.add.f32.msk $0xffff, v1  }
0x91: {  	v2 =	vld [tilespmem:$0x230];
	_ =	sdelay $0x7  }
0x92: {  	[tilespmem:v2+s20+$0x0] =	vst.idx.add.f32.msk $0xffff, v1  }
0x93: {  	[spmem:s2] =	stream.indirect.scatter.add.f32 [tilespmem:s22], [sflag:$0x4], $0x80, s24, s17, $0xb8;
	[tilespmem:$0x1F5C0] =	vst v63  }
0x94: {  	_ =	swait.ge [sflag:s25], $0x4800  }
0x95: {  	[sflag:s25] =	ssyncset.done $0x0  }
0x96: {  	[sflag:s25] =	ssyncadd.s32 $0xFFFFB800  }
0x97: {  	_ =	swait.ge [sflag:s26], $0x4800  }
0x98: {  	[sflag:s26] =	ssyncset.done $0x0  }
0x99: {  	[sflag:s26] =	ssyncadd.s32 $0xFFFFB800  }
0x9a: {  	[bflag:$0x0] =	sbarrier.arrive $0xFFFF  }
0x9b: {  	[hbm4b:s10+s3] =	stream.linear.scatter [tilespmem:s20], [sflag:$0x5], $0x2780, $0x38;
	[tilespmem:$0x1F5C0] =	vst v63  }
0x9c: {  	s28 =	sadd.s32 $0x1, s28;
	_ =	swait.ge [sflag:s16], $0x2780  }
0x9d: {  	p0 =	sne.s32 s28, s11;
	[sflag:s16] =	ssyncset.done $0x0  }
.Ltmp2:
0x9e: {  	[sflag:s16] =	ssyncadd.s32 $0xFFFFD880;
	(pc) =	sbr.rel @p0 .LBB2_1-.Ltmp2, $4  }
0x9f: {  	[hbm:s12], [sflag:s7] =	dma.local [spmem:s15], $0x2780  }
0xa0: {  	_ =	swait.ge [sflag:s16], $0x2780  }
0xa1: {  	[sflag:s16] =	ssyncset.done $0x0  }
0xa2: {  	[sflag:s16] =	ssyncadd.s32 $0xFFFFD880  }
0xa3: {  	_ =	sfence.sel $0x180000  }
0xa4: {  	[bflag:$0x0] =	sbarrier.arrive $0xFFFF  }
0xa5: {  	p0 =	sne.s32 s4, $0x0;
	_ =	strace $0x90000047  }
0xa6: {  	s0 =	sadd.s32 @!p0 $0x100000, s0;
	[bflag:$0x2] =	sbarrier.arrive $0xFFFF  }
0xa7: {  	[sflag:s0] =	ssyncadd.tile.s32 @!p0 $0x1;
	_ =	shalt  }
.Lfunc_end2:
_tile_overlayer_lowered:
.L_overlay_start_2:
0xa8: {  	(tag) =	ssettag $0x2  }
0xa9: {  	s0 =	rddreg [dreg:$0x0];
	s2 =	stileid.u32  }
0xaa: {  	s1 =	rddreg [dreg:$0x1];
	p0 =	sne.s32 s2, $0x0  }
0xab: {  	s3 =	rddreg [dreg:$0x2];
	[bflag:$0x3] =	sbarrier.arrive $0xFFFF;
	s2 =	simm.s32 @!p0 $0x1C05  }
0xac: {  	[timem:s3], [sflag:s2] =	dma.local @!p0 [hbm:s0], s1  }
0xad: {  	s0 =	simm.s32 @!p0 $0x5  }
0xae: {  	_ =	swait.ge @!p0 [sflag:s0], s1  }
0xaf: {  	s1 =	ssub.s32 @!p0 $0x0, s1;
	[sflag:s0] =	ssyncset.done @!p0 $0x0  }
0xb0: {  	[sflag:s0] =	ssyncadd.s32 @!p0 s1  }
0xb1: {  	[bflag:$0x3] =	sbarrier.arrive $0xFFFF  }
0xb2: {  	_ =	shalt  }

// kernel: kernel.9.cloned.1.call-start
scs
__scs_entry_jumppad:
0x0: {  	(pc) =	sbr.rel $0x88, $3  }
0x1: {  	(tag) =	ssettag $0x0;
	lr =	simm.s32 $0x1  }
0x2: {  	[smem:$0x3F99] =	sst lr;
	_ =	strace $0xD0000000  }
0x3: {  	_ = 	snop  }
0x4: {  	_ = 	snop  }
0x5: {  	_ = 	snop  }
0x6: {  	_ = 	snop  }
0x7: {  	_ = 	snop  }
__scs_overlays_trampoline_lowered:
0x8: {  	[smem:$0x3FA8] =	sst s0  }
0x9: {  	[smem:$0x3FA9] =	sst s1  }
0xa: {  	[smem:$0x3FAA] =	sst s2  }
0xb: {  	[smem:$0x3FAB] =	sst s3  }
0xc: {  	[smem:$0x3FAC] =	sst s4  }
0xd: {  	[smem:$0x3FAD] =	sst s5  }
0xe: {  	[smem:$0x3FAE] =	sst s6  }
0xf: {  	[smem:$0x3FAF] =	sst s7  }
0x10: {  	[smem:$0x3FB0] =	sst s8  }
0x11: {  	[smem:$0x3FB1] =	sst s9;
	s0 =	simm.s32 @!p0 $0x0  }
0x12: {  	s1 =	sld [smem:$0x3F97];
	s0 =	simm.s32 @p0 $0x1  }
0x13: {  	[smem:$0x3FB2] =	sst s0;
	s0 =	simm.s32 @!p1 $0x0  }
0x14: {  	s2 =	sld [smem:$0x3F96];
	s0 =	simm.s32 @p1 $0x1  }
0x15: {  	[smem:$0x3FB3] =	sst s0;
	s0 =	simm.s32 @!p2 $0x0  }
0x16: {  	s3 =	sld [smem:$0x3FDB];
	s0 =	simm.s32 @p2 $0x1  }
0x17: {  	s4 =	simm.s32 $0x1BF5;
	[smem:$0x3FB5] =	sst s0  }
0x18: {  	s0 =	sld [smem:$0x3F98];
	_ =	swait.ge [sflag:s4], $0x0  }
0x19: {  	s7 =	sld [smem:$0x3F99]  }
0x1a: {  	s8 =	sadd.s32 $0xFFFFE003, lr  }
0x1b: {  	s9 =	sadd.s32 $0xFFFFFEF7, lr;
	s5 =	simm.s32 $0xFFFFFFFF;
	p2 =	slt.u32 s8, $0xFFFFF086  }
0x1c: {  	p1 =	slt.u32 s9, $0xF7A;
	s5 =	simm.s32 @!p2 $0x0  }
0x1d: {  	s5 =	simm.s32 @p1 $0x1;
	p0 =	seq.s32 s7, s2  }
0x1e: {  	s7 =	smul.u32 @!p0 $0xF7A, s2;
	p2 =	seq.s32 @!p0 s5, $0x0  }
0x1f: {  	s9 =	smul.u32 $0xF7A, s1;
	s8 =	simm.s32 @!p0 $0x1BF5;
	p2 =	por !p2, p0  }
0x20: {  	[sflag:s8] =	ssyncset.s32 @!p0 $0xFFFFF086;
	s6 =	sadd.s32 @!p0 s3, s7;
	s7 =	simm.s32 @!p0 $0x108  }
0x21: {  	s3 =	sadd.s32 s3, s9;
	s6 =	sadd.s32 @!p0 $0x88, s6;
	s7 =	simm.s32 @p2 $0x1082  }
0x22: {  	[simem:s7], [sflag:s8] =	dma.local @!p0 [hbm:s6], $0xF7A  }
0x23: {  	s9 =	sor.u32 $0xD0000000, s2;
	s6 =	simm.s32 $0x108;
	_ =	swait.ge @!p0 [sflag:s8], $0x0  }
0x24: {  	s3 =	sadd.s32 $0x88, s3;
	s6 =	simm.s32 @!p1 $0x1082;
	[sflag:s4] =	ssyncset.s32 $0xFFFFF086  }
0x25: {  	[simem:s6], [sflag:s4] =	dma.local [hbm:s3], $0xF7A  }
0x26: {  	[smem:$0x3F99] =	sst s1;
	(tag) =	ssettag s2;
	_ =	strace s9  }
0x27: {  	s1 =	sld [smem:$0x3FA9]  }
0x28: {  	s2 =	sld [smem:$0x3FAA]  }
0x29: {  	s4 =	sld [smem:$0x3FAC]  }
0x2a: {  	p0 =	seq.s32 s5, $0x0;
	s5 =	sld [smem:$0x3FAD]  }
0x2b: {  	s6 =	sld [smem:$0x3FAE]  }
0x2c: {  	s7 =	sld [smem:$0x3FAF]  }
0x2d: {  	s3 =	simm.s32 $0x108;
	s8 =	sld [smem:$0x3FB0]  }
0x2e: {  	s3 =	simm.s32 @!p0 $0x1082;
	s9 =	sld [smem:$0x3FB1]  }
0x2f: {  	lr =	sadd.s32 s0, s3;
	s0 =	sld [smem:$0x3FA8]  }
0x30: {  	s3 =	sld [smem:$0x3FAB]  }
0x31: {  	[smem:$0x3FB4] =	sst s10  }
0x32: {  	s10 =	sld [smem:$0x3FB2];
	_ =	sdelay $0x3  }
0x33: {  	p0 =	seq.s32 s10, $0x1;
	s10 =	sld [smem:$0x3FB4];
	_ =	sdelay $0x3  }
0x34: {  	[smem:$0x3FB4] =	sst s10  }
0x35: {  	s10 =	sld [smem:$0x3FB3];
	_ =	sdelay $0x3  }
0x36: {  	p1 =	seq.s32 s10, $0x1;
	s10 =	sld [smem:$0x3FB4];
	_ =	sdelay $0x3  }
0x37: {  	[smem:$0x3FB4] =	sst s10  }
0x38: {  	s10 =	sld [smem:$0x3FB5]  }
0x39: {  	_ = 	snop;
	(pc) =	sbr.ind lr, $3  }
0x3a: {  	_ = 	snop  }
0x3b: {  	_ = 	snop  }
0x3c: {  	p2 =	seq.s32 s10, $0x1;
	s10 =	sld [smem:$0x3FB4]  }
0x3d: {  	_ =	shalt  }
0x3e: {  	_ =	shalt  }
0x3f: {  	_ =	shalt  }
0x40: {  	_ =	shalt  }
0x41: {  	_ =	shalt  }
0x42: {  	_ =	shalt  }
0x43: {  	_ =	shalt  }
0x44: {  	_ =	shalt  }
0x45: {  	_ =	shalt  }
0x46: {  	_ =	shalt  }
0x47: {  	_ =	shalt  }
0x48: {  	_ =	shalt  }
0x49: {  	_ =	shalt  }
0x4a: {  	_ =	shalt  }
0x4b: {  	_ =	shalt  }
0x4c: {  	_ =	shalt  }
0x4d: {  	_ =	shalt  }
0x4e: {  	_ =	shalt  }
0x4f: {  	_ =	shalt  }
0x50: {  	_ =	shalt  }
0x51: {  	_ =	shalt  }
0x52: {  	_ =	shalt  }
0x53: {  	_ =	shalt  }
0x54: {  	_ =	shalt  }
0x55: {  	_ =	shalt  }
0x56: {  	_ =	shalt  }
0x57: {  	_ =	shalt  }
0x58: {  	_ =	shalt  }
0x59: {  	_ =	shalt  }
0x5a: {  	_ =	shalt  }
0x5b: {  	_ =	shalt  }
0x5c: {  	_ =	shalt  }
0x5d: {  	_ =	shalt  }
0x5e: {  	_ =	shalt  }
0x5f: {  	_ =	shalt  }
0x60: {  	_ =	shalt  }
0x61: {  	_ =	shalt  }
0x62: {  	_ =	shalt  }
0x63: {  	_ =	shalt  }
0x64: {  	_ =	shalt  }
0x65: {  	_ =	shalt  }
0x66: {  	_ =	shalt  }
0x67: {  	_ =	shalt  }
0x68: {  	_ =	shalt  }
0x69: {  	_ =	shalt  }
0x6a: {  	_ =	shalt  }
0x6b: {  	_ =	shalt  }
0x6c: {  	_ =	shalt  }
0x6d: {  	_ =	shalt  }
0x6e: {  	_ =	shalt  }
0x6f: {  	_ =	shalt  }
0x70: {  	_ =	shalt  }
0x71: {  	_ =	shalt  }
0x72: {  	_ =	shalt  }
0x73: {  	_ =	shalt  }
0x74: {  	_ =	shalt  }
0x75: {  	_ =	shalt  }
0x76: {  	_ =	shalt  }
0x77: {  	_ =	shalt  }
0x78: {  	_ =	shalt  }
0x79: {  	_ =	shalt  }
0x7a: {  	_ =	shalt  }
0x7b: {  	_ =	shalt  }
0x7c: {  	_ =	shalt  }
0x7d: {  	_ =	shalt  }
0x7e: {  	_ =	shalt  }
0x7f: {  	_ =	shalt  }
0x80: {  	_ =	shalt  }
0x81: {  	_ =	shalt  }
0x82: {  	_ =	shalt  }
0x83: {  	_ =	shalt  }
0x84: {  	_ =	shalt  }
0x85: {  	_ =	shalt  }
0x86: {  	_ =	shalt  }
0x87: {  	_ =	shalt  }
.Lfunc_end0:
.L_simem_size_0:
called_computation.1_lowered:
.L_overlay_start_0:
0x88: {  	s2 =	sld [smem:$0x3FD9]  }
0x89: {  	s3 =	sld [smem:$0x3FFE];
	_ =	sdelay $0x1  }
0x8a: {  	s1 =	srdreg.scid  }
0x8b: {  	s0 =	sand.u32 $0x1, s1  }
0x8c: {  	s17 =	sshll.u32 s0, $0xA;
	s2 =	sadd.s32 s3, s2  }
0x8d: {  	s2 =	sadd.s32 s2, s17  }
0x8e: {  	[smem:$0x3FC0] =	sst s2  }
0x8f: {  	_ = 	snop  }
0x90: {  	s2 =	sld [smem:$0x3FD0];
	(tm) =	ssettm $0x1  }
0x91: {  	s18 =	sld [smem:$0x3FFB];
	_ =	sdelay $0x3  }
0x92: {  	_ =	strace s18  }
0x93: {  	s3 =	sld [smem:$0x3FFC];
	_ =	sdelay $0x3  }
0x94: {  	_ =	strace s3  }
0x95: {  	s3 =	sld [smem:$0x3FFD];
	_ =	sdelay $0x3  }
0x96: {  	_ =	strace s3  }
0x97: {  	_ =	strace $0x8FFFFFFF  }
0x98: {  	s19 =	sld [smem:$0x3FDB];
	_ =	sdelay $0x1  }
0x99: {  	s4 =	simm.s32 $_scs_section_size  }
0x9a: {  	s5 =	simm.s32 $_size__tile_overlayer_lowered;
	s6 =	simm.s32 $_tile_overlayer_lowered  }
0x9b: {  	s22 =	simm.s32 $0x1BFF;
	s21 =	sshll.u32 s6, $0x1;
	s3 =	sadd.s32 s4, s19  }
0x9c: {  	s7 =	simm.s32 $0x0;
	s20 =	sshll.u32 s5, $0x1;
	s5 =	sadd.s32 s21, s3  }
0x9d: {  	[timem:s7], [sflag:s22] =	dma.local [hbm:s5], s20  }
0x9e: {  	_ =	swait.ge [sflag:s22], s20  }
0x9f: {  	s4 =	ssub.s32 $0x0, s20;
	[sflag:s22] =	ssyncset.done $0x0  }
0xa0: {  	[sflag:s22] =	ssyncadd.s32 s4;
	_ =	sdelay $0x1  }
0xa1: {  	s23 =	simm.s32 $0x1B8B  }
0xa2: {  	_ =	swait.ge [sflag:s23], $0x1  }
0xa3: {  	[sflag:s23] =	ssyncset.done $0x0  }
0xa4: {  	s25 =	simm.s32 $0x1B8E;
	s24 =	sld [smem:$0x3FFE];
	[sflag:s23] =	ssyncadd.s32 $0xFFFFFFFF  }
0xa5: {  	s26 =	simm.s32 $execute0_lowered;
	[smem:$0x3FD2] =	sst s25  }
0xa6: {  	s5 =	sshll.u32 s26, $0x1;
	_ =	strace $0x80000049;
	[dreg:$0x1] =	wrdreg $0xFFFFFFFF  }
0xa7: {  	s28 =	simm.s32 $_size_execute0_lowered;
	s3 =	sadd.s32 s3, s5;
	[dreg:$0x0] =	wrdreg $0x0  }
0xa8: {  	s5 =	sshll.u32 s28, $0x1;
	[dreg:$0x2] =	wrdreg s3  }
0xa9: {  	[dreg:$0x3] =	wrdreg s5  }
0xaa: {  	[dreg:$0x4] =	wrdreg $0xC0  }
0xab: {  	_ =	task [dreg:s7], $0x5FFFF  }
0xac: {  	[dreg:$0x1] =	wrdreg $0xFFFFFFFF  }
0xad: {  	[dreg:$0x0] =	wrdreg $0x60  }
0xae: {  	[dreg:$0x2] =	wrdreg s2  }
0xaf: {  	[dreg:$0x3] =	wrdreg s24  }
0xb0: {  	[dreg:$0x4] =	wrdreg $0x92400  }
0xb1: {  	[dreg:$0x5] =	wrdreg $0x9  }
0xb2: {  	_ =	task.clear_ibuf [dreg:s7], $0x6FFFF;
	_ =	strace $0x90000049  }
0xb3: {  	s29 =	simm.s32 $0x9;
	_ =	strace $0x8000004B  }
0xb4: {  	_ =	swait.ge [sflag:s29], $0x1  }
0xb5: {  	[sflag:s29] =	ssyncadd.s32 $0xFFFFFFFF  }
0xb6: {  	_ =	strace $0x9000004B  }
0xb7: {  	_ =	sfence  }
0xb8: {  	s30 =	sld [smem:$0x0];
	_ =	sdelay $0x2  }
0xb9: {  	s31 =	sshll.u32 s1, $0xD;
	s1 =	sshrl.u32 s1, $0x2  }
0xba: {  	s3 =	sand.u32 $0x4000, s31;
	s1 =	sadd.s32 s1, s30  }
0xbb: {  	s0 =	sor.u32 s3, s0;
	s1 =	sshll.u32 s1, $0x11  }
0xbc: {  	s0 =	sor.u32 s1, s0  }
0xbd: {  	s0 =	sadd.s32 $0x8F2B, s0  }
0xbe: {  	[sflag:s0] =	ssyncadd.remote.s32 $0x1  }
0xbf: {  	_ =	sfence.sel $0xFFFF  }
0xc0: {  	[dreg:$0x0] =	wrdreg $0xFFFFFFFF;
	(pc) =	sbr.abs _section_cstart, $3  }
0xc1: {  	[dreg:$0x1] =	wrdreg $0xFFFFFFFF  }
0xc2: {  	_ =	task.clear_ibuf [dreg:s7], $0x2FFFF;
	_ =	strace $0x9FFFFFFF  }
0xc3: {  	(tm) =	ssettm $0x7FFFFFFF  }
tec
execute0_lowered:
.L_overlay_start_1:
0x0: {  	(tag) =	ssettag $0x1  }
0x1: {  	s1 =	rddreg [dreg:$0x0]  }
0x2: {  	s11 =	rddreg [dreg:$0x1]  }
0x3: {  	s2 =	rddreg [dreg:$0x2]  }
0x4: {  	s3 =	srdreg.scid;
	s0 =	rddreg [dreg:$0x3];
	s4 =	simm.s32 $0x0  }
0x5: {  	s17 =	simm.s32 $0x41200;
	s18 =	simm.s32 $0x1;
	s19 =	simm.s32 $0x120  }
0x6: {  	s20 =	simm.s32 $0x4A40;
	s21 =	simm.s32 $0x2;
	s22 =	simm.s32 $0x1B0  }
0x7: {  	s23 =	simm.s32 $0x3;
	s24 =	simm.s32 $0x4;
	s25 =	simm.s32 $0x0  }
0x8: {  	s10 =	sand.u32 $0x1, s3;
	[smem:$0x7FF] =	sst s4;
	s3 =	stileid.u32  }
0x9: {  	s5 =	sshll.u32 s10, $0x4;
	_ =	strace $0x8000004A;
	s12 =	smul.u32 $0x13C00, s3  }
0xa: {  	s7 =	ssub.s32 $0x2, s10;
	s14 =	smul.u32 $0x4FE00, s10;
	s30 =	sshll.u32 s3, $0x6  }
0xb: {  	s15 =	smul.u32 $0x4FE0, s3;
	p0 =	seq.s32 s10, $0x1;
	s6 =	sor.u32 s3, s5  }
0xc: {  	s5 =	sadd.s32 $0x3200, s11;
	s9 =	sshrl.u32 s7, $0x1;
	s17 =	simm.s32 @!p0 $0x19A00  }
0xd: {  	s8 =	smul.u32 $0x4FE0, s6;
	s6 =	sadd.s32 $0x17200, s11;
	s13 =	ssub.s32 s7, s9  }
0xe: {  	s16 =	sadd.s32 s12, s2;
	s14 =	sadd.s32 s15, s14;
	s12 =	sshrl.u32 s12, $0x3  }
0xf: {  	s11 =	sadd.s32 s17, s11;
	s17 =	simm.s32 $0x240;
	s15 =	sadd.s32 $0x360, s14  }
0x10: {  	s10 =	smax.u32 s13, $0x1;
	s11 =	sadd.s32 s11, s12;
	s13 =	sadd.s32 $0x240, s14  }
0x11: {  	s14 =	sshrl.u32 s16, $0x3;
	s16 =	simm.s32 $0x90;
	s29 =	sshrl.u32 s8, $0x3  }
0x12: {  	s8 =	sor.u32 $0x1C05, s30;
	s31 =	sshrl.u32 s15, $0x3;
	s7 =	sadd.s32 s5, s29  }
0x13: {  	s15 =	simm.s32 $0x5;
	s12 =	sadd.s32 s31, s5;
	s9 =	sadd.s32 $0x24, s7  }
.LBB2_1:
0x14: {  	[spmem:s14], [sflag:s8] =	dma.local [hbm:s6], $0x2780  }
0x15: {  	_ =	swait.ge [sflag:s15], $0x2780  }
0x16: {  	[sflag:s15] =	ssyncset.done $0x0  }
0x17: {  	[sflag:s15] =	ssyncadd.s32 $0xFFFFD880  }
0x18: {  	[bflag:$0x0] =	sbarrier.arrive $0xFFFF  }
0x19: {  	[tilespmem:s4], [sflag:$0x5] =	stream.linear.gather [hbm4b:s7+s4], $0x120, $0x38;
	[tilespmem:$0x1CE40] =	vst v63  }
0x1a: {  	_ =	swait.ge [sflag:s15], $0x120  }
0x1b: {  	[sflag:s15] =	ssyncset.done $0x0  }
0x1c: {  	[sflag:s15] =	ssyncadd.s32 $0xFFFFFEE0  }
0x1d: {  	[tilespmem:s17], [sflag:$0x1] =	stream.indirect.gather [hbm4b:s1+s16], $0x80, s4, s16, $0xb8;
	[tilespmem:$0x1CE40] =	vst v63  }
0x1e: {  	_ =	swait.ge [sflag:s18], $0x4800  }
0x1f: {  	[sflag:s18] =	ssyncset.done $0x0  }
0x20: {  	[sflag:s18] =	ssyncadd.s32 $0xFFFFB800  }
0x21: {  	[spmem:s2] =	stream.indirect.scatter.add.f32 [tilespmem:s17], [sflag:$0x3], $0x80, s16, s16, $0xb8;
	[tilespmem:$0x1CE40] =	vst v63  }
0x22: {  	_ = 	snop  }
0x23: {  	[tilespmem:s19], [sflag:$0x5] =	stream.linear.gather [hbm4b:s9+s4], $0x120, $0x38;
	[tilespmem:$0x1CE40] =	vst v63  }
0x24: {  	_ =	swait.ge [sflag:s15], $0x120  }
0x25: {  	[sflag:s15] =	ssyncset.done $0x0  }
0x26: {  	[sflag:s15] =	ssyncadd.s32 $0xFFFFFEE0  }
0x27: {  	[tilespmem:s20], [sflag:$0x2] =	stream.indirect.gather [hbm4b:s1+s16], $0x80, s19, s16, $0xb8;
	[tilespmem:$0x1CE40] =	vst v63  }
0x28: {  	_ =	swait.ge [sflag:s21], $0x4800  }
0x29: {  	[sflag:s21] =	ssyncset.done $0x0  }
0x2a: {  	[sflag:s21] =	ssyncadd.s32 $0xFFFFB800  }
0x2b: {  	[spmem:s2] =	stream.indirect.scatter.add.f32 [tilespmem:s20], [sflag:$0x4], $0x80, s22, s16, $0xb8;
	[tilespmem:$0x1CE40] =	vst v63  }
0x2c: {  	_ =	swait.ge [sflag:s23], $0x4800  }
0x2d: {  	s26 =	sshrl.u32 s13, $0x3;
	[sflag:s23] =	ssyncset.done $0x0  }
0x2e: {  	s26 =	sadd.s32 s5, s26;
	[sflag:s23] =	ssyncadd.s32 $0xFFFFB800  }
0x2f: {  	[tilespmem:s4], [sflag:$0x5] =	stream.linear.gather [hbm4b:s26+s4], $0x120, $0x38;
	[tilespmem:$0x1CE40] =	vst v63  }
0x30: {  	_ =	swait.ge [sflag:s15], $0x120  }
0x31: {  	[sflag:s15] =	ssyncset.done $0x0  }
0x32: {  	[sflag:s15] =	ssyncadd.s32 $0xFFFFFEE0  }
0x33: {  	[tilespmem:s17], [sflag:$0x1] =	stream.indirect.gather [hbm4b:s1+s16], $0x80, s4, s16, $0xb8;
	[tilespmem:$0x1CE40] =	vst v63  }
0x34: {  	_ =	swait.ge [sflag:s18], $0x4800  }
0x35: {  	[sflag:s18] =	ssyncset.done $0x0  }
0x36: {  	[sflag:s18] =	ssyncadd.s32 $0xFFFFB800  }
0x37: {  	[spmem:s2] =	stream.indirect.scatter.add.f32 [tilespmem:s17], [sflag:$0x3], $0x80, s16, s16, $0xb8;
	[tilespmem:$0x1CE40] =	vst v63  }
0x38: {  	_ =	swait.ge [sflag:s24], $0x4800  }
0x39: {  	[sflag:s24] =	ssyncset.done $0x0  }
0x3a: {  	s31 =	sadd.s32 $0x0, s12;
	[sflag:s24] =	ssyncadd.s32 $0xFFFFB800  }
0x3b: {  	[tilespmem:s19], [sflag:$0x5] =	stream.linear.gather [hbm4b:s31+s4], $0x120, $0x38;
	[tilespmem:$0x1CE40] =	vst v63  }
0x3c: {  	_ =	swait.ge [sflag:s15], $0x120  }
0x3d: {  	[sflag:s15] =	ssyncset.done $0x0  }
0x3e: {  	s28 =	sadd.s32 $0x240, s13;
	s26 =	simm.s32 $0x48;
	[sflag:s15] =	ssyncadd.s32 $0xFFFFFEE0  }
.LBB2_2:
0x3f: {  	[tilespmem:s20], [sflag:$0x2] =	stream.indirect.gather [hbm4b:s1+s16], $0x80, s19, s16, $0xb8;
	[tilespmem:$0x1CE40] =	vst v63  }
0x40: {  	s29 =	smov.u32 s26  }
0x41: {  	p0 =	sne.s32 s26, $0x948;
	s26 =	sadd.s32 $0x48, s26;
	_ =	swait.ge [sflag:s21], $0x4800  }
0x42: {  	[sflag:s21] =	ssyncset.done $0x0  }
0x43: {  	[sflag:s21] =	ssyncadd.s32 $0xFFFFB800  }
0x44: {  	[spmem:s2] =	stream.indirect.scatter.add.f32 [tilespmem:s20], [sflag:$0x4], $0x80, s22, s16, $0xb8;
	[tilespmem:$0x1CE40] =	vst v63  }
0x45: {  	_ =	swait.ge [sflag:s23], $0x4800  }
0x46: {  	s30 =	sshrl.u32 s28, $0x3;
	[sflag:s23] =	ssyncset.done $0x0  }
0x47: {  	s30 =	sadd.s32 s5, s30;
	[sflag:s23] =	ssyncadd.s32 $0xFFFFB800  }
0x48: {  	[tilespmem:s4], [sflag:$0x5] =	stream.linear.gather [hbm4b:s30+s4], $0x120, $0x38;
	[tilespmem:$0x1CE40] =	vst v63  }
0x49: {  	_ =	swait.ge [sflag:s15], $0x120  }
0x4a: {  	[sflag:s15] =	ssyncset.done $0x0  }
0x4b: {  	[sflag:s15] =	ssyncadd.s32 $0xFFFFFEE0  }
0x4c: {  	[tilespmem:s17], [sflag:$0x1] =	stream.indirect.gather [hbm4b:s1+s16], $0x80, s4, s16, $0xb8;
	[tilespmem:$0x1CE40] =	vst v63  }
0x4d: {  	_ =	swait.ge [sflag:s18], $0x4800  }
0x4e: {  	[sflag:s18] =	ssyncset.done $0x0  }
0x4f: {  	[sflag:s18] =	ssyncadd.s32 $0xFFFFB800  }
0x50: {  	[spmem:s2] =	stream.indirect.scatter.add.f32 [tilespmem:s17], [sflag:$0x3], $0x80, s16, s16, $0xb8;
	[tilespmem:$0x1CE40] =	vst v63  }
0x51: {  	_ =	swait.ge [sflag:s24], $0x4800  }
0x52: {  	[sflag:s24] =	ssyncset.done $0x0  }
.Ltmp0:
0x53: {  	s29 =	sadd.s32 s29, s12;
	[sflag:s24] =	ssyncadd.s32 $0xFFFFB800;
	(pc) =	sbr.rel @p0 .LBB2_2-.Ltmp0, $4  }
0x54: {  	[tilespmem:s19], [sflag:$0x5] =	stream.linear.gather [hbm4b:s29+s4], $0x120, $0x38;
	[tilespmem:$0x1CE40] =	vst v63  }
0x55: {  	_ =	swait.ge [sflag:s15], $0x120  }
0x56: {  	[sflag:s15] =	ssyncset.done $0x0  }
0x57: {  	s28 =	sadd.s32 $0x240, s28;
	[sflag:s15] =	ssyncadd.s32 $0xFFFFFEE0  }
0x58: {  	[tilespmem:s20], [sflag:$0x2] =	stream.indirect.gather [hbm4b:s1+s16], $0x80, s19, s16, $0xb8;
	[tilespmem:$0x1CE40] =	vst v63  }
0x59: {  	_ =	swait.ge [sflag:s21], $0x4800  }
0x5a: {  	[sflag:s21] =	ssyncset.done $0x0  }
0x5b: {  	[sflag:s21] =	ssyncadd.s32 $0xFFFFB800  }
0x5c: {  	[spmem:s2] =	stream.indirect.scatter.add.f32 [tilespmem:s20], [sflag:$0x4], $0x80, s22, s16, $0xb8;
	[tilespmem:$0x1CE40] =	vst v63  }
0x5d: {  	_ =	swait.ge [sflag:s23], $0x4800  }
0x5e: {  	[sflag:s23] =	ssyncset.done $0x0  }
0x5f: {  	[sflag:s23] =	ssyncadd.s32 $0xFFFFB800  }
0x60: {  	_ =	swait.ge [sflag:s24], $0x4800  }
0x61: {  	s25 =	sadd.s32 $0x1, s25;
	[sflag:s24] =	ssyncset.done $0x0  }
0x62: {  	p0 =	sne.s32 s25, s10;
	[sflag:s24] =	ssyncadd.s32 $0xFFFFB800  }
.Ltmp1:
0x63: {  	[bflag:$0x0] =	sbarrier.arrive $0xFFFF;
	(pc) =	sbr.rel @p0 .LBB2_1-.Ltmp1, $4  }
0x64: {  	[hbm:s11], [sflag:s8] =	dma.local [spmem:s14], $0x2780  }
0x65: {  	_ =	swait.ge [sflag:s15], $0x2780  }
0x66: {  	[sflag:s15] =	ssyncset.done $0x0  }
0x67: {  	[sflag:s15] =	ssyncadd.s32 $0xFFFFD880  }
0x68: {  	_ =	sfence.sel $0x180000  }
0x69: {  	[bflag:$0x0] =	sbarrier.arrive $0xFFFF  }
0x6a: {  	p0 =	sne.s32 s3, $0x0;
	_ =	strace $0x9000004A  }
0x6b: {  	s0 =	sadd.s32 @!p0 $0x100000, s0;
	[bflag:$0x2] =	sbarrier.arrive $0xFFFF  }
0x6c: {  	[sflag:s0] =	ssyncadd.tile.s32 @!p0 $0x1;
	_ =	shalt  }
.Lfunc_end2:
_tile_overlayer_lowered:
.L_overlay_start_2:
0x6d: {  	(tag) =	ssettag $0x2  }
0x6e: {  	s0 =	rddreg [dreg:$0x0];
	s2 =	stileid.u32  }
0x6f: {  	s1 =	rddreg [dreg:$0x1];
	p0 =	sne.s32 s2, $0x0  }
0x70: {  	s3 =	rddreg [dreg:$0x2];
	[bflag:$0x3] =	sbarrier.arrive $0xFFFF;
	s2 =	simm.s32 @!p0 $0x1C05  }
0x71: {  	[timem:s3], [sflag:s2] =	dma.local @!p0 [hbm:s0], s1  }
0x72: {  	s0 =	simm.s32 @!p0 $0x5  }
0x73: {  	_ =	swait.ge @!p0 [sflag:s0], s1  }
0x74: {  	s1 =	ssub.s32 @!p0 $0x0, s1;
	[sflag:s0] =	ssyncset.done @!p0 $0x0  }
0x75: {  	[sflag:s0] =	ssyncadd.s32 @!p0 s1  }
0x76: {  	[bflag:$0x3] =	sbarrier.arrive $0xFFFF  }
0x77: {  	_ =	shalt  }

</sc_bundles>
